<compile_context>
chip_gen: v7x
topology: tpu7x:2x2x1
jax: 0.10.2.dev20260603
libtpu: 0.0.44.dev20260713+nightly
codegen_flags: <defaults>
</compile_context>

<pallas_src>
import functools

import jax
import jax.numpy as jnp
from jax import lax
from jax.experimental import pallas as pl
from jax.experimental.pallas import tpu as pltpu
from jax.experimental.pallas import tpu_sc as plsc

_NUM_CORES = 2
_NUM_SUBCORES = 16
_NW = _NUM_CORES * _NUM_SUBCORES
_CHUNK = 24


def kernel(indices, weight):
    b, h = indices.shape
    vocab, d = weight.shape
    n = b * h
    per_w = n // _NW
    nmain = per_w // _CHUNK
    tail = per_w - nmain * _CHUNK
    idx_flat = indices.astype(jnp.int32).T.reshape(n)

    mesh = plsc.VectorSubcoreMesh(core_axis_name="c", subcore_axis_name="s")

    @functools.partial(
        pl.kernel,
        mesh=mesh,
        out_type=jax.ShapeDtypeStruct((n, d), jnp.float32),
        scratch_types=[
            pltpu.VMEM((per_w,), jnp.int32),
            pltpu.VMEM((2, _CHUNK, d), jnp.float32),
            pltpu.SemaphoreType.DMA,
            pltpu.SemaphoreType.DMA,
            pltpu.SemaphoreType.DMA,
            pltpu.SemaphoreType.DMA,
        ],
    )
    def gather_rows(idx_hbm, table_hbm, out_hbm, idx_v, rows_v, g0, g1, o0, o1):
        wid = lax.axis_index("s") * _NUM_CORES + lax.axis_index("c")
        base = wid * per_w
        sem_g = (g0, g1)
        sem_o = (o0, o1)
        pltpu.sync_copy(idx_hbm.at[pl.ds(base, per_w)], idx_v)

        def gather_cp(off, size, buf):
            return pltpu.make_async_copy(
                table_hbm.at[idx_v.at[pl.ds(off, size)]],
                rows_v.at[buf, pl.ds(0, size)],
                sem_g[buf],
            )

        def out_cp(off, size, buf):
            return pltpu.make_async_copy(
                rows_v.at[buf, pl.ds(0, size)],
                out_hbm.at[pl.ds(base + off, size)],
                sem_o[buf],
            )

        gather_cp(0, _CHUNK, 0).start()
        gather_cp(_CHUNK, _CHUNK, 1).start()

        def body(k, carry):
            for c in range(2):
                i = k * 2 + c
                off = i * _CHUNK
                gather_cp(off, _CHUNK, c).wait()
                out_cp(off, _CHUNK, c).start()
                out_cp(off, _CHUNK, c).wait()

                @pl.when(i + 2 < nmain)
                def _():
                    gather_cp(off + 2 * _CHUNK, _CHUNK, c).start()

                if tail and c == nmain % 2:

                    @pl.when(i == nmain - 2)
                    def _():
                        gather_cp(nmain * _CHUNK, tail, c).start()

            return carry

        lax.fori_loop(0, nmain // 2, body, 0)
        if tail:
            buf = nmain % 2
            gather_cp(nmain * _CHUNK, tail, buf).wait()
            out_cp(nmain * _CHUNK, tail, buf).start()
            out_cp(nmain * _CHUNK, tail, buf).wait()

    out = gather_rows(idx_flat, weight)
    return out.reshape(h, b, d).transpose(1, 0, 2)

# --- scband reference (transcript-rebuilt; emitter-appended) ---
"""Pipeline reference for scband-prosody-embedding-34084860461462 (READ-ONLY COPY).

The authoritative reference and input builder live on the scoring server;
editing this copy changes nothing except your own understanding.
"""

import jax, jax.numpy as jnp
import numpy as np

VOCAB_SIZE = 1024
EMBED_DIM = 2560
BATCH = 1024
HIST = 50

def setup_inputs(seed: int = 0) -> dict:
    key = jax.random.key(seed)
    k_idx, k_w = jax.random.split(key)
    indices = jax.random.randint(k_idx, (BATCH, HIST), 0, VOCAB_SIZE, dtype=jnp.int64 if jax.config.jax_enable_x64 else jnp.int32)
    # nn.Embedding weight, initialized normal(0, 0.02) per init_std
    weight = jax.random.normal(k_w, (VOCAB_SIZE, EMBED_DIM), dtype=jnp.float32) * 0.02
    return {"indices": indices, "weight": weight}

def reference(indices, weight):
    # ProsodyEmbedding.forward with init_strategy='random':
    #   w = self.embedding.weight; return F.embedding(indices, w)
    return jnp.take(weight, indices, axis=0)

if __name__ == "__main__":
    import jax
    _d = setup_inputs()
    print(jax.jit(kernel)(*tuple(_d.values())))

</pallas_src>

<mosaic_0001>
#map = affine_map<(d0, d1) -> (0)>
#map1 = affine_map<(d0, d1) -> (0, 0)>
module attributes {stable_mosaic.version = 14 : i64} {
  func.func @gather_rows(%arg0: i32, %arg1: i32, %arg2: memref<51200xi32, #tpu.memory_space<hbm>>, %arg3: memref<1024x2560xf32, #tpu.memory_space<hbm>>, %arg4: memref<51200x2560xf32, #tpu.memory_space<hbm>>, %arg5: memref<1600xi32, #tpu.memory_space<vmem>>, %arg6: memref<2x24x2560xf32, #tpu.memory_space<vmem>>, %arg7: memref<!tpu.dma_semaphore, #tpu.memory_space<semaphore_mem>>, %arg8: memref<!tpu.dma_semaphore, #tpu.memory_space<semaphore_mem>>, %arg9: memref<!tpu.dma_semaphore, #tpu.memory_space<semaphore_mem>>, %arg10: memref<!tpu.dma_semaphore, #tpu.memory_space<semaphore_mem>>) attributes {dimension_semantics = [#tpu.dimension_semantics<core_parallel>, #tpu.dimension_semantics<subcore_parallel>], iteration_bounds = array<i64: 2, 16>, scalar_prefetch = 0 : i64, scratch_operands = 6 : i64, tpu.core_type = #tpu.core_type<sc_vector_subcore>, window_params = [{transform_indices = #map}, {transform_indices = #map1}, {transform_indices = #map1}]} {
    %mul3A = arith.constant 2 : i32
    %mul3A_0 = arith.muli %arg1, %mul3A : i32
    %add3A = arith.addi %mul3A_0, %arg0 : i32
    %mul3A_1 = arith.constant 1600 : i32
    %mul3A_2 = arith.muli %add3A, %mul3A_1 : i32
    "tpu.region"() ({
      %run_scoped3A = tpu.sem_alloc : memref<!tpu.dma_semaphore, #tpu.memory_space<semaphore_mem>>
      %dma_start3A_66 = tpu.memref_slice %arg2[%mul3A_2] : memref<51200xi32, #tpu.memory_space<hbm>> -> memref<1600xi32, #tpu.memory_space<hbm>>
      %dma_start3A_67 = tpu.memref_slice %arg2[%mul3A_2] : memref<51200xi32, #tpu.memory_space<hbm>> -> memref<1600xi32, #tpu.memory_space<hbm>>
      tpu.enqueue_dma source(%dma_start3A_67 : memref<1600xi32, #tpu.memory_space<hbm>>) target(%arg5 : memref<1600xi32, #tpu.memory_space<vmem>>) target_semaphore(%run_scoped3A : memref<!tpu.dma_semaphore, #tpu.memory_space<semaphore_mem>>)
      %dma_wait3A_68 = tpu.memref_slice %arg2[%mul3A_2] : memref<51200xi32, #tpu.memory_space<hbm>> -> memref<1600xi32, #tpu.memory_space<hbm>>
      %dma_wait3A_69 = tpu.memref_slice %arg2[%mul3A_2] : memref<51200xi32, #tpu.memory_space<hbm>> -> memref<1600xi32, #tpu.memory_space<hbm>>
      tpu.wait_dma2 semaphore(%run_scoped3A : memref<!tpu.dma_semaphore, #tpu.memory_space<semaphore_mem>>) src(%dma_wait3A_69 : memref<1600xi32, #tpu.memory_space<hbm>>) dst(%arg5 : memref<1600xi32, #tpu.memory_space<vmem>>)
      tpu.yield
    }) : () -> ()
    %dma_start3A = arith.constant 0 : i32
    %dma_start3A_3 = arith.constant 0 : i32
    %dma_start3A_4 = arith.constant 0 : i32
    %dma_start3A_5 = tpu.memref_slice %arg6[%dma_start3A, %dma_start3A_3, %dma_start3A_4] : memref<2x24x2560xf32, #tpu.memory_space<vmem>> -> memref<1x24x2560xf32, #tpu.memory_space<vmem>>
    %dma_start3A_6 = tpu.memref_squeeze %dma_start3A_5 : memref<1x24x2560xf32, #tpu.memory_space<vmem>> -> memref<24x2560xf32, #tpu.memory_space<vmem>>
    %dma_start3A_7 = arith.constant 0 : i32
    %dma_start3A_8 = tpu.memref_slice %arg5[%dma_start3A_7] : memref<1600xi32, #tpu.memory_space<vmem>> -> memref<24xi32, #tpu.memory_space<vmem>>
    %dma_start3A_9 = arith.constant 0 : i32
    %dma_start3A_10 = arith.constant 0 : i32
    %dma_start3A_11 = tpu.memref_slice %arg3[%dma_start3A_9, %dma_start3A_10] : memref<1024x2560xf32, #tpu.memory_space<hbm>> -> memref<1024x2560xf32, #tpu.memory_space<hbm>>
    tpu.enqueue_indirect_dma source(%dma_start3A_11 : memref<1024x2560xf32, #tpu.memory_space<hbm>>) target(%dma_start3A_6 : memref<24x2560xf32, #tpu.memory_space<vmem>>) offsets(%dma_start3A_8 : memref<24xi32, #tpu.memory_space<vmem>>) semaphore(%arg7 : memref<!tpu.dma_semaphore, #tpu.memory_space<semaphore_mem>>)
    %dma_start3A_12 = arith.constant 1 : i32
    %dma_start3A_13 = arith.constant 0 : i32
    %dma_start3A_14 = arith.constant 0 : i32
    %dma_start3A_15 = tpu.memref_slice %arg6[%dma_start3A_12, %dma_start3A_13, %dma_start3A_14] : memref<2x24x2560xf32, #tpu.memory_space<vmem>> -> memref<1x24x2560xf32, #tpu.memory_space<vmem>>
    %dma_start3A_16 = tpu.memref_squeeze %dma_start3A_15 : memref<1x24x2560xf32, #tpu.memory_space<vmem>> -> memref<24x2560xf32, #tpu.memory_space<vmem>>
    %dma_start3A_17 = arith.constant 24 : i32
    %dma_start3A_18 = tpu.memref_slice %arg5[%dma_start3A_17] : memref<1600xi32, #tpu.memory_space<vmem>> -> memref<24xi32, #tpu.memory_space<vmem>>
    %dma_start3A_19 = arith.constant 0 : i32
    %dma_start3A_20 = arith.constant 0 : i32
    %dma_start3A_21 = tpu.memref_slice %arg3[%dma_start3A_19, %dma_start3A_20] : memref<1024x2560xf32, #tpu.memory_space<hbm>> -> memref<1024x2560xf32, #tpu.memory_space<hbm>>
    tpu.enqueue_indirect_dma source(%dma_start3A_21 : memref<1024x2560xf32, #tpu.memory_space<hbm>>) target(%dma_start3A_16 : memref<24x2560xf32, #tpu.memory_space<vmem>>) offsets(%dma_start3A_18 : memref<24xi32, #tpu.memory_space<vmem>>) semaphore(%arg8 : memref<!tpu.dma_semaphore, #tpu.memory_space<semaphore_mem>>)
    %scan3A = arith.constant 0 : i32
    %scan3A_22 = arith.constant 0 : i32
    %scan3A_23 = arith.constant 33 : i32
    %scan3A_24 = arith.addi %scan3A_22, %scan3A_23 : i32
    %scan3A_25 = arith.constant 1 : i32
    scf.for %scan3A_66 = %scan3A_22 to %scan3A_24 step %scan3A_25  : i32 {
      %mul3A_67 = arith.constant 2 : i32
      %mul3A_68 = arith.muli %scan3A_66, %mul3A_67 : i32
      %add3A_69 = arith.constant 0 : i32
      %add3A_70 = arith.addi %mul3A_68, %add3A_69 : i32
      %mul3A_71 = arith.constant 24 : i32
      %mul3A_72 = arith.muli %add3A_70, %mul3A_71 : i32
      %dma_wait3A_73 = arith.constant 0 : i32
      %dma_wait3A_74 = arith.constant 0 : i32
      %dma_wait3A_75 = arith.constant 0 : i32
      %dma_wait3A_76 = tpu.memref_slice %arg6[%dma_wait3A_73, %dma_wait3A_74, %dma_wait3A_75] : memref<2x24x2560xf32, #tpu.memory_space<vmem>> -> memref<1x24x2560xf32, #tpu.memory_space<vmem>>
      %dma_wait3A_77 = tpu.memref_squeeze %dma_wait3A_76 : memref<1x24x2560xf32, #tpu.memory_space<vmem>> -> memref<24x2560xf32, #tpu.memory_space<vmem>>
      %dma_wait3A_78 = tpu.memref_slice %arg5[%mul3A_72] : memref<1600xi32, #tpu.memory_space<vmem>> -> memref<24xi32, #tpu.memory_space<vmem>>
      %dma_wait3A_79 = arith.constant 0 : i32
      %dma_wait3A_80 = arith.constant 0 : i32
      %dma_wait3A_81 = tpu.memref_slice %arg3[%dma_wait3A_79, %dma_wait3A_80] : memref<1024x2560xf32, #tpu.memory_space<hbm>> -> memref<1024x2560xf32, #tpu.memory_space<hbm>>
      tpu.wait_indirect_dma semaphore(%arg7 : memref<!tpu.dma_semaphore, #tpu.memory_space<semaphore_mem>>) src(%dma_wait3A_81 : memref<1024x2560xf32, #tpu.memory_space<hbm>>) dst(%dma_wait3A_77 : memref<24x2560xf32, #tpu.memory_space<vmem>>)
      %add3A_82 = arith.addi %mul3A_2, %mul3A_72 : i32
      %dma_start3A_83 = arith.constant 0 : i32
      %dma_start3A_84 = arith.constant 0 : i32
      %dma_start3A_85 = arith.constant 0 : i32
      %dma_start3A_86 = tpu.memref_slice %arg6[%dma_start3A_83, %dma_start3A_84, %dma_start3A_85] : memref<2x24x2560xf32, #tpu.memory_space<vmem>> -> memref<1x24x2560xf32, #tpu.memory_space<vmem>>
      %dma_start3A_87 = tpu.memref_squeeze %dma_start3A_86 : memref<1x24x2560xf32, #tpu.memory_space<vmem>> -> memref<24x2560xf32, #tpu.memory_space<vmem>>
      %dma_start3A_88 = arith.constant 0 : i32
      %dma_start3A_89 = tpu.memref_slice %arg4[%add3A_82, %dma_start3A_88] : memref<51200x2560xf32, #tpu.memory_space<hbm>> -> memref<24x2560xf32, #tpu.memory_space<hbm>>
      %dma_start3A_90 = arith.constant 0 : i32
      %dma_start3A_91 = tpu.memref_slice %arg4[%add3A_82, %dma_start3A_90] : memref<51200x2560xf32, #tpu.memory_space<hbm>> -> memref<24x2560xf32, #tpu.memory_space<hbm>>
      %dma_start3A_92 = arith.constant 0 : i32
      %dma_start3A_93 = arith.constant 0 : i32
      %dma_start3A_94 = tpu.memref_slice %arg6[%dma_start3A_83, %dma_start3A_92, %dma_start3A_93] : memref<2x24x2560xf32, #tpu.memory_space<vmem>> -> memref<1x24x2560xf32, #tpu.memory_space<vmem>>
      %dma_start3A_95 = tpu.memref_squeeze %dma_start3A_94 : memref<1x24x2560xf32, #tpu.memory_space<vmem>> -> memref<24x2560xf32, #tpu.memory_space<vmem>>
      tpu.enqueue_dma source(%dma_start3A_95 : memref<24x2560xf32, #tpu.memory_space<vmem>>) target(%dma_start3A_91 : memref<24x2560xf32, #tpu.memory_space<hbm>>) target_semaphore(%arg9 : memref<!tpu.dma_semaphore, #tpu.memory_space<semaphore_mem>>)
      %add3A_96 = arith.addi %mul3A_2, %mul3A_72 : i32
      %dma_wait3A_97 = arith.constant 0 : i32
      %dma_wait3A_98 = arith.constant 0 : i32
      %dma_wait3A_99 = arith.constant 0 : i32
      %dma_wait3A_100 = tpu.memref_slice %arg6[%dma_wait3A_97, %dma_wait3A_98, %dma_wait3A_99] : memref<2x24x2560xf32, #tpu.memory_space<vmem>> -> memref<1x24x2560xf32, #tpu.memory_space<vmem>>
      %dma_wait3A_101 = tpu.memref_squeeze %dma_wait3A_100 : memref<1x24x2560xf32, #tpu.memory_space<vmem>> -> memref<24x2560xf32, #tpu.memory_space<vmem>>
      %dma_wait3A_102 = arith.constant 0 : i32
      %dma_wait3A_103 = tpu.memref_slice %arg4[%add3A_96, %dma_wait3A_102] : memref<51200x2560xf32, #tpu.memory_space<hbm>> -> memref<24x2560xf32, #tpu.memory_space<hbm>>
      %dma_wait3A_104 = arith.constant 0 : i32
      %dma_wait3A_105 = tpu.memref_slice %arg4[%add3A_96, %dma_wait3A_104] : memref<51200x2560xf32, #tpu.memory_space<hbm>> -> memref<24x2560xf32, #tpu.memory_space<hbm>>
      %dma_wait3A_106 = arith.constant 0 : i32
      %dma_wait3A_107 = arith.constant 0 : i32
      %dma_wait3A_108 = tpu.memref_slice %arg6[%dma_wait3A_97, %dma_wait3A_106, %dma_wait3A_107] : memref<2x24x2560xf32, #tpu.memory_space<vmem>> -> memref<1x24x2560xf32, #tpu.memory_space<vmem>>
      %dma_wait3A_109 = tpu.memref_squeeze %dma_wait3A_108 : memref<1x24x2560xf32, #tpu.memory_space<vmem>> -> memref<24x2560xf32, #tpu.memory_space<vmem>>
      tpu.wait_dma2 semaphore(%arg9 : memref<!tpu.dma_semaphore, #tpu.memory_space<semaphore_mem>>) src(%dma_wait3A_109 : memref<24x2560xf32, #tpu.memory_space<vmem>>) dst(%dma_wait3A_105 : memref<24x2560xf32, #tpu.memory_space<hbm>>)
      %add3A_110 = arith.constant 2 : i32
      %add3A_111 = arith.addi %add3A_70, %add3A_110 : i32
      %lt3A = arith.constant 66 : i32
      %lt3A_112 = arith.cmpi slt, %add3A_111, %lt3A : i32
      %convert_element_type3A = arith.extui %lt3A_112 : i1 to i32
      %cond3A = arith.constant 0 : i32
      %cond3A_113 = arith.cmpi ne, %convert_element_type3A, %cond3A : i32
      scf.if %cond3A_113 {
        %add3A_168 = arith.constant 48 : i32
        %add3A_169 = arith.addi %mul3A_72, %add3A_168 : i32
        %dma_start3A_170 = arith.constant 0 : i32
        %dma_start3A_171 = arith.constant 0 : i32
        %dma_start3A_172 = arith.constant 0 : i32
        %dma_start3A_173 = tpu.memref_slice %arg6[%dma_start3A_170, %dma_start3A_171, %dma_start3A_172] : memref<2x24x2560xf32, #tpu.memory_space<vmem>> -> memref<1x24x2560xf32, #tpu.memory_space<vmem>>
        %dma_start3A_174 = tpu.memref_squeeze %dma_start3A_173 : memref<1x24x2560xf32, #tpu.memory_space<vmem>> -> memref<24x2560xf32, #tpu.memory_space<vmem>>
        %dma_start3A_175 = tpu.memref_slice %arg5[%add3A_169] : memref<1600xi32, #tpu.memory_space<vmem>> -> memref<24xi32, #tpu.memory_space<vmem>>
        %dma_start3A_176 = arith.constant 0 : i32
        %dma_start3A_177 = arith.constant 0 : i32
        %dma_start3A_178 = tpu.memref_slice %arg3[%dma_start3A_176, %dma_start3A_177] : memref<1024x2560xf32, #tpu.memory_space<hbm>> -> memref<1024x2560xf32, #tpu.memory_space<hbm>>
        tpu.enqueue_indirect_dma source(%dma_start3A_178 : memref<1024x2560xf32, #tpu.memory_space<hbm>>) target(%dma_start3A_174 : memref<24x2560xf32, #tpu.memory_space<vmem>>) offsets(%dma_start3A_175 : memref<24xi32, #tpu.memory_space<vmem>>) semaphore(%arg7 : memref<!tpu.dma_semaphore, #tpu.memory_space<semaphore_mem>>)
      } else {
      }
      %eq3A = arith.constant 64 : i32
      %eq3A_114 = arith.cmpi eq, %add3A_70, %eq3A : i32
      %convert_element_type3A_115 = arith.extui %eq3A_114 : i1 to i32
      %cond3A_116 = arith.constant 0 : i32
      %cond3A_117 = arith.cmpi ne, %convert_element_type3A_115, %cond3A_116 : i32
      scf.if %cond3A_117 {
        %dma_start3A_168 = arith.constant 0 : i32
        %dma_start3A_169 = arith.constant 0 : i32
        %dma_start3A_170 = arith.constant 0 : i32
        %dma_start3A_171 = tpu.memref_slice %arg6[%dma_start3A_168, %dma_start3A_169, %dma_start3A_170] : memref<2x24x2560xf32, #tpu.memory_space<vmem>> -> memref<1x16x2560xf32, #tpu.memory_space<vmem>>
        %dma_start3A_172 = tpu.memref_squeeze %dma_start3A_171 : memref<1x16x2560xf32, #tpu.memory_space<vmem>> -> memref<16x2560xf32, #tpu.memory_space<vmem>>
        %dma_start3A_173 = arith.constant 1584 : i32
        %dma_start3A_174 = tpu.memref_slice %arg5[%dma_start3A_173] : memref<1600xi32, #tpu.memory_space<vmem>> -> memref<16xi32, #tpu.memory_space<vmem>>
        %dma_start3A_175 = arith.constant 0 : i32
        %dma_start3A_176 = arith.constant 0 : i32
        %dma_start3A_177 = tpu.memref_slice %arg3[%dma_start3A_175, %dma_start3A_176] : memref<1024x2560xf32, #tpu.memory_space<hbm>> -> memref<1024x2560xf32, #tpu.memory_space<hbm>>
        tpu.enqueue_indirect_dma source(%dma_start3A_177 : memref<1024x2560xf32, #tpu.memory_space<hbm>>) target(%dma_start3A_172 : memref<16x2560xf32, #tpu.memory_space<vmem>>) offsets(%dma_start3A_174 : memref<16xi32, #tpu.memory_space<vmem>>) semaphore(%arg7 : memref<!tpu.dma_semaphore, #tpu.memory_space<semaphore_mem>>)
      } else {
      }
      %mul3A_118 = arith.constant 2 : i32
      %mul3A_119 = arith.muli %scan3A_66, %mul3A_118 : i32
      %add3A_120 = arith.constant 1 : i32
      %add3A_121 = arith.addi %mul3A_119, %add3A_120 : i32
      %mul3A_122 = arith.constant 24 : i32
      %mul3A_123 = arith.muli %add3A_121, %mul3A_122 : i32
      %dma_wait3A_124 = arith.constant 1 : i32
      %dma_wait3A_125 = arith.constant 0 : i32
      %dma_wait3A_126 = arith.constant 0 : i32
      %dma_wait3A_127 = tpu.memref_slice %arg6[%dma_wait3A_124, %dma_wait3A_125, %dma_wait3A_126] : memref<2x24x2560xf32, #tpu.memory_space<vmem>> -> memref<1x24x2560xf32, #tpu.memory_space<vmem>>
      %dma_wait3A_128 = tpu.memref_squeeze %dma_wait3A_127 : memref<1x24x2560xf32, #tpu.memory_space<vmem>> -> memref<24x2560xf32, #tpu.memory_space<vmem>>
      %dma_wait3A_129 = tpu.memref_slice %arg5[%mul3A_123] : memref<1600xi32, #tpu.memory_space<vmem>> -> memref<24xi32, #tpu.memory_space<vmem>>
      %dma_wait3A_130 = arith.constant 0 : i32
      %dma_wait3A_131 = arith.constant 0 : i32
      %dma_wait3A_132 = tpu.memref_slice %arg3[%dma_wait3A_130, %dma_wait3A_131] : memref<1024x2560xf32, #tpu.memory_space<hbm>> -> memref<1024x2560xf32, #tpu.memory_space<hbm>>
      tpu.wait_indirect_dma semaphore(%arg8 : memref<!tpu.dma_semaphore, #tpu.memory_space<semaphore_mem>>) src(%dma_wait3A_132 : memref<1024x2560xf32, #tpu.memory_space<hbm>>) dst(%dma_wait3A_128 : memref<24x2560xf32, #tpu.memory_space<vmem>>)
      %add3A_133 = arith.addi %mul3A_2, %mul3A_123 : i32
      %dma_start3A_134 = arith.constant 1 : i32
      %dma_start3A_135 = arith.constant 0 : i32
      %dma_start3A_136 = arith.constant 0 : i32
      %dma_start3A_137 = tpu.memref_slice %arg6[%dma_start3A_134, %dma_start3A_135, %dma_start3A_136] : memref<2x24x2560xf32, #tpu.memory_space<vmem>> -> memref<1x24x2560xf32, #tpu.memory_space<vmem>>
      %dma_start3A_138 = tpu.memref_squeeze %dma_start3A_137 : memref<1x24x2560xf32, #tpu.memory_space<vmem>> -> memref<24x2560xf32, #tpu.memory_space<vmem>>
      %dma_start3A_139 = arith.constant 0 : i32
      %dma_start3A_140 = tpu.memref_slice %arg4[%add3A_133, %dma_start3A_139] : memref<51200x2560xf32, #tpu.memory_space<hbm>> -> memref<24x2560xf32, #tpu.memory_space<hbm>>
      %dma_start3A_141 = arith.constant 0 : i32
      %dma_start3A_142 = tpu.memref_slice %arg4[%add3A_133, %dma_start3A_141] : memref<51200x2560xf32, #tpu.memory_space<hbm>> -> memref<24x2560xf32, #tpu.memory_space<hbm>>
      %dma_start3A_143 = arith.constant 0 : i32
      %dma_start3A_144 = arith.constant 0 : i32
      %dma_start3A_145 = tpu.memref_slice %arg6[%dma_start3A_134, %dma_start3A_143, %dma_start3A_144] : memref<2x24x2560xf32, #tpu.memory_space<vmem>> -> memref<1x24x2560xf32, #tpu.memory_space<vmem>>
      %dma_start3A_146 = tpu.memref_squeeze %dma_start3A_145 : memref<1x24x2560xf32, #tpu.memory_space<vmem>> -> memref<24x2560xf32, #tpu.memory_space<vmem>>
      tpu.enqueue_dma source(%dma_start3A_146 : memref<24x2560xf32, #tpu.memory_space<vmem>>) target(%dma_start3A_142 : memref<24x2560xf32, #tpu.memory_space<hbm>>) target_semaphore(%arg10 : memref<!tpu.dma_semaphore, #tpu.memory_space<semaphore_mem>>)
      %add3A_147 = arith.addi %mul3A_2, %mul3A_123 : i32
      %dma_wait3A_148 = arith.constant 1 : i32
      %dma_wait3A_149 = arith.constant 0 : i32
      %dma_wait3A_150 = arith.constant 0 : i32
      %dma_wait3A_151 = tpu.memref_slice %arg6[%dma_wait3A_148, %dma_wait3A_149, %dma_wait3A_150] : memref<2x24x2560xf32, #tpu.memory_space<vmem>> -> memref<1x24x2560xf32, #tpu.memory_space<vmem>>
      %dma_wait3A_152 = tpu.memref_squeeze %dma_wait3A_151 : memref<1x24x2560xf32, #tpu.memory_space<vmem>> -> memref<24x2560xf32, #tpu.memory_space<vmem>>
      %dma_wait3A_153 = arith.constant 0 : i32
      %dma_wait3A_154 = tpu.memref_slice %arg4[%add3A_147, %dma_wait3A_153] : memref<51200x2560xf32, #tpu.memory_space<hbm>> -> memref<24x2560xf32, #tpu.memory_space<hbm>>
      %dma_wait3A_155 = arith.constant 0 : i32
      %dma_wait3A_156 = tpu.memref_slice %arg4[%add3A_147, %dma_wait3A_155] : memref<51200x2560xf32, #tpu.memory_space<hbm>> -> memref<24x2560xf32, #tpu.memory_space<hbm>>
      %dma_wait3A_157 = arith.constant 0 : i32
      %dma_wait3A_158 = arith.constant 0 : i32
      %dma_wait3A_159 = tpu.memref_slice %arg6[%dma_wait3A_148, %dma_wait3A_157, %dma_wait3A_158] : memref<2x24x2560xf32, #tpu.memory_space<vmem>> -> memref<1x24x2560xf32, #tpu.memory_space<vmem>>
      %dma_wait3A_160 = tpu.memref_squeeze %dma_wait3A_159 : memref<1x24x2560xf32, #tpu.memory_space<vmem>> -> memref<24x2560xf32, #tpu.memory_space<vmem>>
      tpu.wait_dma2 semaphore(%arg10 : memref<!tpu.dma_semaphore, #tpu.memory_space<semaphore_mem>>) src(%dma_wait3A_160 : memref<24x2560xf32, #tpu.memory_space<vmem>>) dst(%dma_wait3A_156 : memref<24x2560xf32, #tpu.memory_space<hbm>>)
      %add3A_161 = arith.constant 2 : i32
      %add3A_162 = arith.addi %add3A_121, %add3A_161 : i32
      %lt3A_163 = arith.constant 66 : i32
      %lt3A_164 = arith.cmpi slt, %add3A_162, %lt3A_163 : i32
      %convert_element_type3A_165 = arith.extui %lt3A_164 : i1 to i32
      %cond3A_166 = arith.constant 0 : i32
      %cond3A_167 = arith.cmpi ne, %convert_element_type3A_165, %cond3A_166 : i32
      scf.if %cond3A_167 {
        %add3A_168 = arith.constant 48 : i32
        %add3A_169 = arith.addi %mul3A_123, %add3A_168 : i32
        %dma_start3A_170 = arith.constant 1 : i32
        %dma_start3A_171 = arith.constant 0 : i32
        %dma_start3A_172 = arith.constant 0 : i32
        %dma_start3A_173 = tpu.memref_slice %arg6[%dma_start3A_170, %dma_start3A_171, %dma_start3A_172] : memref<2x24x2560xf32, #tpu.memory_space<vmem>> -> memref<1x24x2560xf32, #tpu.memory_space<vmem>>
        %dma_start3A_174 = tpu.memref_squeeze %dma_start3A_173 : memref<1x24x2560xf32, #tpu.memory_space<vmem>> -> memref<24x2560xf32, #tpu.memory_space<vmem>>
        %dma_start3A_175 = tpu.memref_slice %arg5[%add3A_169] : memref<1600xi32, #tpu.memory_space<vmem>> -> memref<24xi32, #tpu.memory_space<vmem>>
        %dma_start3A_176 = arith.constant 0 : i32
        %dma_start3A_177 = arith.constant 0 : i32
        %dma_start3A_178 = tpu.memref_slice %arg3[%dma_start3A_176, %dma_start3A_177] : memref<1024x2560xf32, #tpu.memory_space<hbm>> -> memref<1024x2560xf32, #tpu.memory_space<hbm>>
        tpu.enqueue_indirect_dma source(%dma_start3A_178 : memref<1024x2560xf32, #tpu.memory_space<hbm>>) target(%dma_start3A_174 : memref<24x2560xf32, #tpu.memory_space<vmem>>) offsets(%dma_start3A_175 : memref<24xi32, #tpu.memory_space<vmem>>) semaphore(%arg8 : memref<!tpu.dma_semaphore, #tpu.memory_space<semaphore_mem>>)
      } else {
      }
    }
    %scan3A_26 = arith.constant 33 : i32
    %dma_wait3A = arith.constant 0 : i32
    %dma_wait3A_27 = arith.constant 0 : i32
    %dma_wait3A_28 = arith.constant 0 : i32
    %dma_wait3A_29 = tpu.memref_slice %arg6[%dma_wait3A, %dma_wait3A_27, %dma_wait3A_28] : memref<2x24x2560xf32, #tpu.memory_space<vmem>> -> memref<1x16x2560xf32, #tpu.memory_space<vmem>>
    %dma_wait3A_30 = tpu.memref_squeeze %dma_wait3A_29 : memref<1x16x2560xf32, #tpu.memory_space<vmem>> -> memref<16x2560xf32, #tpu.memory_space<vmem>>
    %dma_wait3A_31 = arith.constant 1584 : i32
    %dma_wait3A_32 = tpu.memref_slice %arg5[%dma_wait3A_31] : memref<1600xi32, #tpu.memory_space<vmem>> -> memref<16xi32, #tpu.memory_space<vmem>>
    %dma_wait3A_33 = arith.constant 0 : i32
    %dma_wait3A_34 = arith.constant 0 : i32
    %dma_wait3A_35 = tpu.memref_slice %arg3[%dma_wait3A_33, %dma_wait3A_34] : memref<1024x2560xf32, #tpu.memory_space<hbm>> -> memref<1024x2560xf32, #tpu.memory_space<hbm>>
    tpu.wait_indirect_dma semaphore(%arg7 : memref<!tpu.dma_semaphore, #tpu.memory_space<semaphore_mem>>) src(%dma_wait3A_35 : memref<1024x2560xf32, #tpu.memory_space<hbm>>) dst(%dma_wait3A_30 : memref<16x2560xf32, #tpu.memory_space<vmem>>)
    %add3A_36 = arith.constant 1584 : i32
    %add3A_37 = arith.addi %mul3A_2, %add3A_36 : i32
    %dma_start3A_38 = arith.constant 0 : i32
    %dma_start3A_39 = arith.constant 0 : i32
    %dma_start3A_40 = arith.constant 0 : i32
    %dma_start3A_41 = tpu.memref_slice %arg6[%dma_start3A_38, %dma_start3A_39, %dma_start3A_40] : memref<2x24x2560xf32, #tpu.memory_space<vmem>> -> memref<1x16x2560xf32, #tpu.memory_space<vmem>>
    %dma_start3A_42 = tpu.memref_squeeze %dma_start3A_41 : memref<1x16x2560xf32, #tpu.memory_space<vmem>> -> memref<16x2560xf32, #tpu.memory_space<vmem>>
    %dma_start3A_43 = arith.constant 0 : i32
    %dma_start3A_44 = tpu.memref_slice %arg4[%add3A_37, %dma_start3A_43] : memref<51200x2560xf32, #tpu.memory_space<hbm>> -> memref<16x2560xf32, #tpu.memory_space<hbm>>
    %dma_start3A_45 = arith.constant 0 : i32
    %dma_start3A_46 = tpu.memref_slice %arg4[%add3A_37, %dma_start3A_45] : memref<51200x2560xf32, #tpu.memory_space<hbm>> -> memref<16x2560xf32, #tpu.memory_space<hbm>>
    %dma_start3A_47 = arith.constant 0 : i32
    %dma_start3A_48 = arith.constant 0 : i32
    %dma_start3A_49 = tpu.memref_slice %arg6[%dma_start3A_38, %dma_start3A_47, %dma_start3A_48] : memref<2x24x2560xf32, #tpu.memory_space<vmem>> -> memref<1x16x2560xf32, #tpu.memory_space<vmem>>
    %dma_start3A_50 = tpu.memref_squeeze %dma_start3A_49 : memref<1x16x2560xf32, #tpu.memory_space<vmem>> -> memref<16x2560xf32, #tpu.memory_space<vmem>>
    tpu.enqueue_dma source(%dma_start3A_50 : memref<16x2560xf32, #tpu.memory_space<vmem>>) target(%dma_start3A_46 : memref<16x2560xf32, #tpu.memory_space<hbm>>) target_semaphore(%arg9 : memref<!tpu.dma_semaphore, #tpu.memory_space<semaphore_mem>>)
    %add3A_51 = arith.constant 1584 : i32
    %add3A_52 = arith.addi %mul3A_2, %add3A_51 : i32
    %dma_wait3A_53 = arith.constant 0 : i32
    %dma_wait3A_54 = arith.constant 0 : i32
    %dma_wait3A_55 = arith.constant 0 : i32
    %dma_wait3A_56 = tpu.memref_slice %arg6[%dma_wait3A_53, %dma_wait3A_54, %dma_wait3A_55] : memref<2x24x2560xf32, #tpu.memory_space<vmem>> -> memref<1x16x2560xf32, #tpu.memory_space<vmem>>
    %dma_wait3A_57 = tpu.memref_squeeze %dma_wait3A_56 : memref<1x16x2560xf32, #tpu.memory_space<vmem>> -> memref<16x2560xf32, #tpu.memory_space<vmem>>
    %dma_wait3A_58 = arith.constant 0 : i32
    %dma_wait3A_59 = tpu.memref_slice %arg4[%add3A_52, %dma_wait3A_58] : memref<51200x2560xf32, #tpu.memory_space<hbm>> -> memref<16x2560xf32, #tpu.memory_space<hbm>>
    %dma_wait3A_60 = arith.constant 0 : i32
    %dma_wait3A_61 = tpu.memref_slice %arg4[%add3A_52, %dma_wait3A_60] : memref<51200x2560xf32, #tpu.memory_space<hbm>> -> memref<16x2560xf32, #tpu.memory_space<hbm>>
    %dma_wait3A_62 = arith.constant 0 : i32
    %dma_wait3A_63 = arith.constant 0 : i32
    %dma_wait3A_64 = tpu.memref_slice %arg6[%dma_wait3A_53, %dma_wait3A_62, %dma_wait3A_63] : memref<2x24x2560xf32, #tpu.memory_space<vmem>> -> memref<1x16x2560xf32, #tpu.memory_space<vmem>>
    %dma_wait3A_65 = tpu.memref_squeeze %dma_wait3A_64 : memref<1x16x2560xf32, #tpu.memory_space<vmem>> -> memref<16x2560xf32, #tpu.memory_space<vmem>>
    tpu.wait_dma2 semaphore(%arg9 : memref<!tpu.dma_semaphore, #tpu.memory_space<semaphore_mem>>) src(%dma_wait3A_65 : memref<16x2560xf32, #tpu.memory_space<vmem>>) dst(%dma_wait3A_61 : memref<16x2560xf32, #tpu.memory_space<hbm>>)
    return
  }
}

</mosaic_0001>

<sc_bundles>
// kernel: kernel.3.cloned.1.call-start
scs
__scs_entry_jumppad:
0x0: {  	(pc) =	sbr.rel $0x88, $3  }
0x1: {  	(tag) =	ssettag $0x0;
	lr =	simm.s32 $0x1  }
0x2: {  	[smem:$0x3F9F] =	sst lr;
	_ =	strace $0xD0000000  }
0x3: {  	_ = 	snop  }
0x4: {  	_ = 	snop  }
0x5: {  	_ = 	snop  }
0x6: {  	_ = 	snop  }
0x7: {  	_ = 	snop  }
__scs_overlays_trampoline_lowered:
0x8: {  	[smem:$0x3FAE] =	sst s0  }
0x9: {  	[smem:$0x3FAF] =	sst s1  }
0xa: {  	[smem:$0x3FB0] =	sst s2  }
0xb: {  	[smem:$0x3FB1] =	sst s3  }
0xc: {  	[smem:$0x3FB2] =	sst s4  }
0xd: {  	[smem:$0x3FB3] =	sst s5  }
0xe: {  	[smem:$0x3FB4] =	sst s6  }
0xf: {  	[smem:$0x3FB5] =	sst s7  }
0x10: {  	[smem:$0x3FB6] =	sst s8  }
0x11: {  	[smem:$0x3FB7] =	sst s9;
	s0 =	simm.s32 @!p0 $0x0  }
0x12: {  	s1 =	sld [smem:$0x3F9D];
	s0 =	simm.s32 @p0 $0x1  }
0x13: {  	[smem:$0x3FB8] =	sst s0;
	s0 =	simm.s32 @!p1 $0x0  }
0x14: {  	s2 =	sld [smem:$0x3F9C];
	s0 =	simm.s32 @p1 $0x1  }
0x15: {  	[smem:$0x3FB9] =	sst s0;
	s0 =	simm.s32 @!p2 $0x0  }
0x16: {  	s3 =	sld [smem:$0x3FDB];
	s0 =	simm.s32 @p2 $0x1  }
0x17: {  	s4 =	simm.s32 $0x1BF5;
	[smem:$0x3FBB] =	sst s0  }
0x18: {  	s0 =	sld [smem:$0x3F9E];
	_ =	swait.ge [sflag:s4], $0x0  }
0x19: {  	s7 =	sld [smem:$0x3F9F]  }
0x1a: {  	s8 =	sadd.s32 $0xFFFFE003, lr  }
0x1b: {  	s9 =	sadd.s32 $0xFFFFFEF7, lr;
	s5 =	simm.s32 $0xFFFFFFFF;
	p2 =	slt.u32 s8, $0xFFFFF086  }
0x1c: {  	p1 =	slt.u32 s9, $0xF7A;
	s5 =	simm.s32 @!p2 $0x0  }
0x1d: {  	s5 =	simm.s32 @p1 $0x1;
	p0 =	seq.s32 s7, s2  }
0x1e: {  	s7 =	smul.u32 @!p0 $0xF7A, s2;
	p2 =	seq.s32 @!p0 s5, $0x0  }
0x1f: {  	s9 =	smul.u32 $0xF7A, s1;
	s8 =	simm.s32 @!p0 $0x1BF5;
	p2 =	por !p2, p0  }
0x20: {  	[sflag:s8] =	ssyncset.s32 @!p0 $0xFFFFF086;
	s6 =	sadd.s32 @!p0 s3, s7;
	s7 =	simm.s32 @!p0 $0x108  }
0x21: {  	s3 =	sadd.s32 s3, s9;
	s6 =	sadd.s32 @!p0 $0x88, s6;
	s7 =	simm.s32 @p2 $0x1082  }
0x22: {  	[simem:s7], [sflag:s8] =	dma.local @!p0 [hbm:s6], $0xF7A  }
0x23: {  	s9 =	sor.u32 $0xD0000000, s2;
	s6 =	simm.s32 $0x108;
	_ =	swait.ge @!p0 [sflag:s8], $0x0  }
0x24: {  	s3 =	sadd.s32 $0x88, s3;
	s6 =	simm.s32 @!p1 $0x1082;
	[sflag:s4] =	ssyncset.s32 $0xFFFFF086  }
0x25: {  	[simem:s6], [sflag:s4] =	dma.local [hbm:s3], $0xF7A  }
0x26: {  	[smem:$0x3F9F] =	sst s1;
	(tag) =	ssettag s2;
	_ =	strace s9  }
0x27: {  	s1 =	sld [smem:$0x3FAF]  }
0x28: {  	s2 =	sld [smem:$0x3FB0]  }
0x29: {  	s4 =	sld [smem:$0x3FB2]  }
0x2a: {  	p0 =	seq.s32 s5, $0x0;
	s5 =	sld [smem:$0x3FB3]  }
0x2b: {  	s6 =	sld [smem:$0x3FB4]  }
0x2c: {  	s7 =	sld [smem:$0x3FB5]  }
0x2d: {  	s3 =	simm.s32 $0x108;
	s8 =	sld [smem:$0x3FB6]  }
0x2e: {  	s3 =	simm.s32 @!p0 $0x1082;
	s9 =	sld [smem:$0x3FB7]  }
0x2f: {  	lr =	sadd.s32 s0, s3;
	s0 =	sld [smem:$0x3FAE]  }
0x30: {  	s3 =	sld [smem:$0x3FB1]  }
0x31: {  	[smem:$0x3FBA] =	sst s10  }
0x32: {  	s10 =	sld [smem:$0x3FB8];
	_ =	sdelay $0x3  }
0x33: {  	p0 =	seq.s32 s10, $0x1;
	s10 =	sld [smem:$0x3FBA];
	_ =	sdelay $0x3  }
0x34: {  	[smem:$0x3FBA] =	sst s10  }
0x35: {  	s10 =	sld [smem:$0x3FB9];
	_ =	sdelay $0x3  }
0x36: {  	p1 =	seq.s32 s10, $0x1;
	s10 =	sld [smem:$0x3FBA];
	_ =	sdelay $0x3  }
0x37: {  	[smem:$0x3FBA] =	sst s10  }
0x38: {  	s10 =	sld [smem:$0x3FBB]  }
0x39: {  	_ = 	snop;
	(pc) =	sbr.ind lr, $3  }
0x3a: {  	_ = 	snop  }
0x3b: {  	_ = 	snop  }
0x3c: {  	p2 =	seq.s32 s10, $0x1;
	s10 =	sld [smem:$0x3FBA]  }
0x3d: {  	_ =	shalt  }
0x3e: {  	_ =	shalt  }
0x3f: {  	_ =	shalt  }
0x40: {  	_ =	shalt  }
0x41: {  	_ =	shalt  }
0x42: {  	_ =	shalt  }
0x43: {  	_ =	shalt  }
0x44: {  	_ =	shalt  }
0x45: {  	_ =	shalt  }
0x46: {  	_ =	shalt  }
0x47: {  	_ =	shalt  }
0x48: {  	_ =	shalt  }
0x49: {  	_ =	shalt  }
0x4a: {  	_ =	shalt  }
0x4b: {  	_ =	shalt  }
0x4c: {  	_ =	shalt  }
0x4d: {  	_ =	shalt  }
0x4e: {  	_ =	shalt  }
0x4f: {  	_ =	shalt  }
0x50: {  	_ =	shalt  }
0x51: {  	_ =	shalt  }
0x52: {  	_ =	shalt  }
0x53: {  	_ =	shalt  }
0x54: {  	_ =	shalt  }
0x55: {  	_ =	shalt  }
0x56: {  	_ =	shalt  }
0x57: {  	_ =	shalt  }
0x58: {  	_ =	shalt  }
0x59: {  	_ =	shalt  }
0x5a: {  	_ =	shalt  }
0x5b: {  	_ =	shalt  }
0x5c: {  	_ =	shalt  }
0x5d: {  	_ =	shalt  }
0x5e: {  	_ =	shalt  }
0x5f: {  	_ =	shalt  }
0x60: {  	_ =	shalt  }
0x61: {  	_ =	shalt  }
0x62: {  	_ =	shalt  }
0x63: {  	_ =	shalt  }
0x64: {  	_ =	shalt  }
0x65: {  	_ =	shalt  }
0x66: {  	_ =	shalt  }
0x67: {  	_ =	shalt  }
0x68: {  	_ =	shalt  }
0x69: {  	_ =	shalt  }
0x6a: {  	_ =	shalt  }
0x6b: {  	_ =	shalt  }
0x6c: {  	_ =	shalt  }
0x6d: {  	_ =	shalt  }
0x6e: {  	_ =	shalt  }
0x6f: {  	_ =	shalt  }
0x70: {  	_ =	shalt  }
0x71: {  	_ =	shalt  }
0x72: {  	_ =	shalt  }
0x73: {  	_ =	shalt  }
0x74: {  	_ =	shalt  }
0x75: {  	_ =	shalt  }
0x76: {  	_ =	shalt  }
0x77: {  	_ =	shalt  }
0x78: {  	_ =	shalt  }
0x79: {  	_ =	shalt  }
0x7a: {  	_ =	shalt  }
0x7b: {  	_ =	shalt  }
0x7c: {  	_ =	shalt  }
0x7d: {  	_ =	shalt  }
0x7e: {  	_ =	shalt  }
0x7f: {  	_ =	shalt  }
0x80: {  	_ =	shalt  }
0x81: {  	_ =	shalt  }
0x82: {  	_ =	shalt  }
0x83: {  	_ =	shalt  }
0x84: {  	_ =	shalt  }
0x85: {  	_ =	shalt  }
0x86: {  	_ =	shalt  }
0x87: {  	_ =	shalt  }
.Lfunc_end0:
.L_simem_size_0:
called_computation_lowered:
.L_overlay_start_0:
0x88: {  	s2 =	sld [smem:$0x3FD9]  }
0x89: {  	s3 =	sld [smem:$0x3FFE];
	_ =	sdelay $0x1  }
0x8a: {  	s1 =	srdreg.scid  }
0x8b: {  	s0 =	sand.u32 $0x1, s1  }
0x8c: {  	s17 =	sshll.u32 s0, $0xA;
	s2 =	sadd.s32 s3, s2  }
0x8d: {  	s2 =	sadd.s32 s2, s17  }
0x8e: {  	[smem:$0x3FC6] =	sst s2  }
0x8f: {  	_ = 	snop  }
0x90: {  	s2 =	sld [smem:$0x3FC8]  }
0x91: {  	s18 =	sld [smem:$0x3FD0];
	(tm) =	ssettm $0x1  }
0x92: {  	s4 =	sld [smem:$0x3FFB];
	_ =	sdelay $0x3  }
0x93: {  	_ =	strace s4  }
0x94: {  	s4 =	sld [smem:$0x3FFC];
	_ =	sdelay $0x3  }
0x95: {  	_ =	strace s4  }
0x96: {  	s4 =	sld [smem:$0x3FFD];
	_ =	sdelay $0x3  }
0x97: {  	_ =	strace s4  }
0x98: {  	_ =	strace $0x8FFFFFFF  }
0x99: {  	s19 =	sld [smem:$0x3FDB];
	_ =	sdelay $0x1  }
0x9a: {  	s5 =	simm.s32 $_scs_section_size  }
0x9b: {  	s6 =	simm.s32 $_size__tile_overlayer_lowered;
	s7 =	simm.s32 $_tile_overlayer_lowered  }
0x9c: {  	s22 =	simm.s32 $0x1BFF;
	s21 =	sshll.u32 s7, $0x1;
	s4 =	sadd.s32 s5, s19  }
0x9d: {  	s8 =	simm.s32 $0x0;
	s20 =	sshll.u32 s6, $0x1;
	s6 =	sadd.s32 s21, s4  }
0x9e: {  	[timem:s8], [sflag:s22] =	dma.local [hbm:s6], s20  }
0x9f: {  	_ =	swait.ge [sflag:s22], s20  }
0xa0: {  	s5 =	ssub.s32 $0x0, s20;
	[sflag:s22] =	ssyncset.done $0x0  }
0xa1: {  	[sflag:s22] =	ssyncadd.s32 s5;
	_ =	sdelay $0x1  }
0xa2: {  	s23 =	simm.s32 $0x1B8B  }
0xa3: {  	_ =	swait.ge [sflag:s23], $0x1  }
0xa4: {  	[sflag:s23] =	ssyncset.done $0x0  }
0xa5: {  	s25 =	simm.s32 $0x1B8E;
	s24 =	sld [smem:$0x3FFE];
	[sflag:s23] =	ssyncadd.s32 $0xFFFFFFFF  }
0xa6: {  	s26 =	simm.s32 $execute0_lowered;
	[smem:$0x3FD2] =	sst s25  }
0xa7: {  	s6 =	sshll.u32 s26, $0x1;
	_ =	strace $0x80000046;
	[dreg:$0x1] =	wrdreg $0xFFFFFFFF  }
0xa8: {  	s28 =	simm.s32 $_size_execute0_lowered;
	s4 =	sadd.s32 s4, s6;
	[dreg:$0x0] =	wrdreg $0x0  }
0xa9: {  	s6 =	sshll.u32 s28, $0x1;
	[dreg:$0x2] =	wrdreg s4  }
0xaa: {  	[dreg:$0x3] =	wrdreg s6  }
0xab: {  	[dreg:$0x4] =	wrdreg $0xC0  }
0xac: {  	_ =	task [dreg:s8], $0x5FFFF  }
0xad: {  	[dreg:$0x1] =	wrdreg $0xFFFFFFFF  }
0xae: {  	[dreg:$0x0] =	wrdreg $0x60  }
0xaf: {  	[dreg:$0x2] =	wrdreg s24  }
0xb0: {  	[dreg:$0x3] =	wrdreg s2  }
0xb1: {  	[dreg:$0x4] =	wrdreg s18  }
0xb2: {  	[dreg:$0x5] =	wrdreg $0x9  }
0xb3: {  	_ =	task.clear_ibuf [dreg:s8], $0x6FFFF;
	_ =	strace $0x90000046  }
0xb4: {  	s29 =	simm.s32 $0x9;
	_ =	strace $0x80000048  }
0xb5: {  	_ =	swait.ge [sflag:s29], $0x1  }
0xb6: {  	[sflag:s29] =	ssyncadd.s32 $0xFFFFFFFF  }
0xb7: {  	_ =	strace $0x90000048  }
0xb8: {  	_ =	sfence  }
0xb9: {  	s30 =	sld [smem:$0x0];
	_ =	sdelay $0x2  }
0xba: {  	s31 =	sshll.u32 s1, $0xD;
	s1 =	sshrl.u32 s1, $0x2  }
0xbb: {  	s3 =	sand.u32 $0x4000, s31;
	s1 =	sadd.s32 s1, s30  }
0xbc: {  	s0 =	sor.u32 s3, s0;
	s1 =	sshll.u32 s1, $0x11  }
0xbd: {  	s0 =	sor.u32 s1, s0  }
0xbe: {  	s0 =	sadd.s32 $0x8F2B, s0  }
0xbf: {  	[sflag:s0] =	ssyncadd.remote.s32 $0x1  }
0xc0: {  	_ =	sfence.sel $0xFFFF  }
0xc1: {  	[dreg:$0x0] =	wrdreg $0xFFFFFFFF;
	(pc) =	sbr.abs _section_cstart, $3  }
0xc2: {  	[dreg:$0x1] =	wrdreg $0xFFFFFFFF  }
0xc3: {  	_ =	task.clear_ibuf [dreg:s8], $0x2FFFF;
	_ =	strace $0x9FFFFFFF  }
0xc4: {  	(tm) =	ssettm $0x7FFFFFFF  }
0xc5: {  	_ =	shalt  }
tec
execute0_lowered:
.L_overlay_start_1:
0x0: {  	(tag) =	ssettag $0x1  }
0x1: {  	s0 =	rddreg [dreg:$0x0];
	s1 =	srdreg.scid  }
0x2: {  	s6 =	stileid.u32;
	s2 =	rddreg [dreg:$0x1]  }
0x3: {  	s4 =	rddreg [dreg:$0x2];
	s19 =	simm.s32 $0x680;
	s28 =	simm.s32 $0x3  }
0x4: {  	s29 =	simm.s32 $0x2;
	s1 =	sand.u32 $0x1, s1;
	s3 =	sshll.u32 s6, $0x1  }
0x5: {  	s7 =	smul.u32 $0xC80, s6;
	s6 =	sadd.s32 $0x200, s2;
	s8 =	sadd.s32 $0x400, s2  }
0x6: {  	s9 =	sadd.s32 $0x500, s2;
	s11 =	sadd.s32 $0x700, s2;
	s13 =	sadd.s32 $0x900, s2  }
0x7: {  	s5 =	sor.u32 s1, s3;
	s3 =	simm.s32 $0x0;
	s26 =	ssub.s32 $0x2, s1  }
0x8: {  	s1 =	smul.u32 $0x640, s1;
	[smem:$0x7FF] =	sst s3;
	s30 =	sshrl.u32 s26, $0x1  }
0x9: {  	s5 =	smul.u32 $0x640, s5;
	_ =	strace $0x80000047;
	s14 =	ssub.s32 s26, s30  }
0xa: {  	s31 =	sadd.s32 s1, s7;
	s7 =	sadd.s32 $0x300, s2;
	s26 =	simm.s32 $0x1  }
0xb: {  	s10 =	sshrl.u32 s5, $0x3;
	s5 =	sadd.s32 $0x100, s2;
	s1 =	sor.u32 $0x18, s31  }
0xc: {  	s14 =	smax.u32 s14, $0x1;
	s0 =	sadd.s32 s10, s0;
	s12 =	smul.u32 $0xA00, s10  }
0xd: {  	s1 =	sshrl.u32 s1, $0x3;
	s10 =	sadd.s32 $0x600, s2;
	[dreg:$0x6] =	wrdreg s14  }
.Ltmp0:
0xe: {  	s14 =	simm.s32 $0x0;
	s0 =	sadd.s32 $0x400, s0;
	(pc) =	sbr.rel .LBB2_1-.Ltmp0, $4  }
0xf: {  	s1 =	smul.u32 $0xA00, s1;
	[dreg:$0x4] =	wrdreg s0;
	s0 =	sshrl.u32 s31, $0x3  }
0x10: {  	v2 =	vlaneseq.u32;
	s15 =	sadd.s32 s4, s12;
	s12 =	sadd.s32 $0x800, s2;
	s0 =	smul.u32 $0xA00, s0  }
0x11: {  	vm0 =	vmmov $0xffff;
	v1 =	vshrl.u32 v2, $0x3;
	s15 =	sadd.s32 $0x7BC00, s15;
	s16 =	sadd.s32 s1, s4;
	s1 =	simm.s32 $0xF680  }
0x12: {  	v0 =	vand.u32 $0x7, v2;
	v2 =	vor.u32 $0x8, v2;
	v1 =	vmul.u32 $0x8, v1;
	[dreg:$0x5] =	wrdreg s15;
	s17 =	sadd.s32 s0, s4;
	s0 =	simm.s32 $0x4  }
.LBB2_7:
0x13: {  	_ =	swait.ge [sflag:s26], $0xA000  }
0x14: {  	[sflag:s26] =	ssyncset.done $0x0  }
0x15: {  	s4 =	rddreg [dreg:$0x5];
	[sflag:s26] =	ssyncadd.s32 $0xFFFF6000  }
0x16: {  	[hbm4b:s4+s3] =	stream.linear.scatter [tilespmem:s19], [sflag:$0x3], $0xA000, $0x38;
	[tilespmem:$0x1E680] =	vst v63  }
0x17: {  	_ =	swait.ge [sflag:s28], $0xA000  }
0x18: {  	s14 =	rddreg [dreg:$0x7]  }
0x19: {  	s31 =	rddreg [dreg:$0x6];
	s14 =	sadd.s32 $0x1, s14  }
0x1a: {  	p0 =	sne.s32 s14, s31  }
.Ltmp1:
0x1b: {  	_ = 	snop;
	(pc) =	sbr.rel @!p0 .LBB2_8-.Ltmp1, $3  }
0x1c: {  	_ =	sdelay $0x1  }
0x1d: {  	[sflag:s28] =	ssyncset.done $0x0  }
0x1e: {  	[sflag:s28] =	ssyncadd.s32 $0xFFFF6000  }
.LBB2_1:
0x1f: {  	[dreg:$0x7] =	wrdreg s14  }
0x20: {  	s4 =	rddreg [dreg:$0x4];
	s24 =	simm.s32 $0x5  }
0x21: {  	[tilespmem:s3], [sflag:$0x5] =	stream.linear.gather [hbm4b:s4+s3], $0x640, $0x38;
	[tilespmem:$0x1E680] =	vst v63  }
0x22: {  	_ =	swait.ge [sflag:s24], $0x640  }
0x23: {  	[sflag:s24] =	ssyncset.done $0x0  }
0x24: {  	[sflag:s24] =	ssyncadd.s32 $0xFFFFF9C0  }
0x25: {  	v3 =	vld [tilespmem:$0x0];
	_ =	sdelay $0x4  }
0x26: {  	v4 =	vshrl.u32 v3, $0x3  }
0x27: {  	v4 =	vmul.u32 $0xA0, v4  }
0x28: {  	v3 =	vand.u32 $0x7, v3  }
0x29: {  	v3 =	vor.u32 v3, v4  }
0x2a: {  	v4 =	vperm.xlane v3, v0;
	_ =	sdelay $0x1  }
0x2b: {  	v4 =	vadd.s32 v1, v4;
	_ =	sdelay $0x4  }
0x2c: {  	[tilespmem:s19], [sflag:$0x1] =	stream.indirect_vreg.gather [hbm4b:s2+s3], $0x80, v4, vm0, $0xb8;
	[tilespmem:$0x1E680] =	vst v63  }
0x2d: {  	s25 =	simm.s32 $0xE80  }
0x2e: {  	[tilespmem:s25], [sflag:$0x1] =	stream.indirect_vreg.gather [hbm4b:s5+s3], $0x80, v4, vm0, $0xb8;
	[tilespmem:$0x1E680] =	vst v63  }
0x2f: {  	s30 =	simm.s32 $0x1680  }
0x30: {  	[tilespmem:s30], [sflag:$0x1] =	stream.indirect_vreg.gather [hbm4b:s6+s3], $0x80, v4, vm0, $0xb8;
	[tilespmem:$0x1E680] =	vst v63  }
0x31: {  	s31 =	simm.s32 $0x1E80  }
0x32: {  	[tilespmem:s31], [sflag:$0x1] =	stream.indirect_vreg.gather [hbm4b:s7+s3], $0x80, v4, vm0, $0xb8;
	[tilespmem:$0x1E680] =	vst v63  }
0x33: {  	s14 =	simm.s32 $0x2680  }
0x34: {  	[tilespmem:s14], [sflag:$0x1] =	stream.indirect_vreg.gather [hbm4b:s8+s3], $0x80, v4, vm0, $0xb8;
	[tilespmem:$0x1E680] =	vst v63  }
0x35: {  	s15 =	simm.s32 $0x2E80  }
0x36: {  	[tilespmem:s15], [sflag:$0x1] =	stream.indirect_vreg.gather [hbm4b:s9+s3], $0x80, v4, vm0, $0xb8;
	[tilespmem:$0x1E680] =	vst v63  }
0x37: {  	s18 =	simm.s32 $0x3680  }
0x38: {  	[tilespmem:s18], [sflag:$0x1] =	stream.indirect_vreg.gather [hbm4b:s10+s3], $0x80, v4, vm0, $0xb8;
	[tilespmem:$0x1E680] =	vst v63  }
0x39: {  	s20 =	simm.s32 $0x3E80;
	v3 =	vperm.xlane v3, v2  }
0x3a: {  	[tilespmem:s20], [sflag:$0x1] =	stream.indirect_vreg.gather [hbm4b:s11+s3], $0x80, v4, vm0, $0xb8;
	[tilespmem:$0x1E680] =	vst v63  }
0x3b: {  	s21 =	simm.s32 $0x4680;
	v3 =	vadd.s32 v1, v3  }
0x3c: {  	[tilespmem:s21], [sflag:$0x1] =	stream.indirect_vreg.gather [hbm4b:s12+s3], $0x80, v4, vm0, $0xb8;
	[tilespmem:$0x1E680] =	vst v63  }
0x3d: {  	s22 =	simm.s32 $0x4E80  }
0x3e: {  	[tilespmem:s22], [sflag:$0x1] =	stream.indirect_vreg.gather [hbm4b:s13+s3], $0x80, v4, vm0, $0xb8;
	[tilespmem:$0x1E680] =	vst v63  }
0x3f: {  	s23 =	simm.s32 $0x5680  }
0x40: {  	[tilespmem:s23], [sflag:$0x1] =	stream.indirect_vreg.gather [hbm4b:s2+s3], $0x80, v3, vm0, $0xb8;
	[tilespmem:$0x1E680] =	vst v63  }
0x41: {  	s24 =	simm.s32 $0x5E80  }
0x42: {  	[tilespmem:s24], [sflag:$0x1] =	stream.indirect_vreg.gather [hbm4b:s5+s3], $0x80, v3, vm0, $0xb8;
	[tilespmem:$0x1E680] =	vst v63  }
0x43: {  	s25 =	simm.s32 $0x6680  }
0x44: {  	[tilespmem:s25], [sflag:$0x1] =	stream.indirect_vreg.gather [hbm4b:s6+s3], $0x80, v3, vm0, $0xb8;
	[tilespmem:$0x1E680] =	vst v63  }
0x45: {  	s30 =	simm.s32 $0x6E80  }
0x46: {  	[tilespmem:s30], [sflag:$0x1] =	stream.indirect_vreg.gather [hbm4b:s7+s3], $0x80, v3, vm0, $0xb8;
	[tilespmem:$0x1E680] =	vst v63  }
0x47: {  	s31 =	simm.s32 $0x7680  }
0x48: {  	[tilespmem:s31], [sflag:$0x1] =	stream.indirect_vreg.gather [hbm4b:s8+s3], $0x80, v3, vm0, $0xb8;
	[tilespmem:$0x1E680] =	vst v63  }
0x49: {  	s14 =	simm.s32 $0x7E80  }
0x4a: {  	[tilespmem:s14], [sflag:$0x1] =	stream.indirect_vreg.gather [hbm4b:s9+s3], $0x80, v3, vm0, $0xb8;
	[tilespmem:$0x1E680] =	vst v63  }
0x4b: {  	s15 =	simm.s32 $0x8680  }
0x4c: {  	[tilespmem:s15], [sflag:$0x1] =	stream.indirect_vreg.gather [hbm4b:s10+s3], $0x80, v3, vm0, $0xb8;
	[tilespmem:$0x1E680] =	vst v63  }
0x4d: {  	s18 =	simm.s32 $0x8E80  }
0x4e: {  	[tilespmem:s18], [sflag:$0x1] =	stream.indirect_vreg.gather [hbm4b:s11+s3], $0x80, v3, vm0, $0xb8;
	[tilespmem:$0x1E680] =	vst v63  }
0x4f: {  	s20 =	simm.s32 $0x9680  }
0x50: {  	[tilespmem:s20], [sflag:$0x1] =	stream.indirect_vreg.gather [hbm4b:s12+s3], $0x80, v3, vm0, $0xb8;
	[tilespmem:$0x1E680] =	vst v63  }
0x51: {  	s21 =	simm.s32 $0x9E80  }
0x52: {  	[tilespmem:s21], [sflag:$0x1] =	stream.indirect_vreg.gather [hbm4b:s13+s3], $0x80, v3, vm0, $0xb8;
	[tilespmem:$0x1E680] =	vst v63  }
0x53: {  	v3 =	vld.msk [tilespmem:$0x10], $0xff;
	_ =	sdelay $0x4  }
0x54: {  	v61 =	vshrl.u32 v3, $0x3  }
0x55: {  	v4 =	vmul.u32 $0xA0, v61  }
0x56: {  	v3 =	vand.u32 $0x7, v3  }
0x57: {  	v3 =	vor.u32 v3, v4  }
0x58: {  	v3 =	vperm.xlane v3, v0;
	_ =	sdelay $0x1  }
0x59: {  	v3 =	vadd.s32 v1, v3;
	_ =	sdelay $0x3  }
0x5a: {  	s22 =	simm.s32 $0xA680  }
0x5b: {  	[tilespmem:s22], [sflag:$0x1] =	stream.indirect_vreg.gather [hbm4b:s2+s3], $0x80, v3, vm0, $0xb8;
	[tilespmem:$0x1E680] =	vst v63  }
0x5c: {  	s23 =	simm.s32 $0xAE80  }
0x5d: {  	[tilespmem:s23], [sflag:$0x1] =	stream.indirect_vreg.gather [hbm4b:s5+s3], $0x80, v3, vm0, $0xb8;
	[tilespmem:$0x1E680] =	vst v63  }
0x5e: {  	s24 =	simm.s32 $0xB680  }
0x5f: {  	[tilespmem:s24], [sflag:$0x1] =	stream.indirect_vreg.gather [hbm4b:s6+s3], $0x80, v3, vm0, $0xb8;
	[tilespmem:$0x1E680] =	vst v63  }
0x60: {  	s25 =	simm.s32 $0xBE80  }
0x61: {  	[tilespmem:s25], [sflag:$0x1] =	stream.indirect_vreg.gather [hbm4b:s7+s3], $0x80, v3, vm0, $0xb8;
	[tilespmem:$0x1E680] =	vst v63  }
0x62: {  	s30 =	simm.s32 $0xC680  }
0x63: {  	[tilespmem:s30], [sflag:$0x1] =	stream.indirect_vreg.gather [hbm4b:s8+s3], $0x80, v3, vm0, $0xb8;
	[tilespmem:$0x1E680] =	vst v63  }
0x64: {  	s31 =	simm.s32 $0xCE80  }
0x65: {  	[tilespmem:s31], [sflag:$0x1] =	stream.indirect_vreg.gather [hbm4b:s9+s3], $0x80, v3, vm0, $0xb8;
	[tilespmem:$0x1E680] =	vst v63  }
0x66: {  	s14 =	simm.s32 $0xD680  }
0x67: {  	[tilespmem:s14], [sflag:$0x1] =	stream.indirect_vreg.gather [hbm4b:s10+s3], $0x80, v3, vm0, $0xb8;
	[tilespmem:$0x1E680] =	vst v63  }
0x68: {  	s15 =	simm.s32 $0xDE80  }
0x69: {  	[tilespmem:s15], [sflag:$0x1] =	stream.indirect_vreg.gather [hbm4b:s11+s3], $0x80, v3, vm0, $0xb8;
	[tilespmem:$0x1E680] =	vst v63  }
0x6a: {  	s18 =	simm.s32 $0xE680  }
0x6b: {  	[tilespmem:s18], [sflag:$0x1] =	stream.indirect_vreg.gather [hbm4b:s12+s3], $0x80, v3, vm0, $0xb8;
	[tilespmem:$0x1E680] =	vst v63  }
0x6c: {  	s20 =	simm.s32 $0xEE80  }
0x6d: {  	[tilespmem:s20], [sflag:$0x1] =	stream.indirect_vreg.gather [hbm4b:s13+s3], $0x80, v3, vm0, $0xb8;
	[tilespmem:$0x1E680] =	vst v63  }
0x6e: {  	v3 =	vld [tilespmem:$0x18];
	_ =	sdelay $0x4  }
0x6f: {  	v62 =	vshrl.u32 v3, $0x3  }
0x70: {  	v4 =	vmul.u32 $0xA0, v62  }
0x71: {  	v3 =	vand.u32 $0x7, v3  }
0x72: {  	v3 =	vor.u32 v3, v4  }
0x73: {  	v4 =	vperm.xlane v3, v0;
	_ =	sdelay $0x1  }
0x74: {  	v4 =	vadd.s32 v1, v4;
	_ =	sdelay $0x4  }
0x75: {  	[tilespmem:s1], [sflag:$0x2] =	stream.indirect_vreg.gather [hbm4b:s2+s3], $0x80, v4, vm0, $0xb8;
	[tilespmem:$0x1E680] =	vst v63  }
0x76: {  	s21 =	simm.s32 $0xFE80  }
0x77: {  	[tilespmem:s21], [sflag:$0x2] =	stream.indirect_vreg.gather [hbm4b:s5+s3], $0x80, v4, vm0, $0xb8;
	[tilespmem:$0x1E680] =	vst v63  }
0x78: {  	s22 =	simm.s32 $0x10680  }
0x79: {  	[tilespmem:s22], [sflag:$0x2] =	stream.indirect_vreg.gather [hbm4b:s6+s3], $0x80, v4, vm0, $0xb8;
	[tilespmem:$0x1E680] =	vst v63  }
0x7a: {  	s23 =	simm.s32 $0x10E80  }
0x7b: {  	[tilespmem:s23], [sflag:$0x2] =	stream.indirect_vreg.gather [hbm4b:s7+s3], $0x80, v4, vm0, $0xb8;
	[tilespmem:$0x1E680] =	vst v63  }
0x7c: {  	s24 =	simm.s32 $0x11680  }
0x7d: {  	[tilespmem:s24], [sflag:$0x2] =	stream.indirect_vreg.gather [hbm4b:s8+s3], $0x80, v4, vm0, $0xb8;
	[tilespmem:$0x1E680] =	vst v63  }
0x7e: {  	s25 =	simm.s32 $0x11E80  }
0x7f: {  	[tilespmem:s25], [sflag:$0x2] =	stream.indirect_vreg.gather [hbm4b:s9+s3], $0x80, v4, vm0, $0xb8;
	[tilespmem:$0x1E680] =	vst v63  }
0x80: {  	s30 =	simm.s32 $0x12680  }
0x81: {  	[tilespmem:s30], [sflag:$0x2] =	stream.indirect_vreg.gather [hbm4b:s10+s3], $0x80, v4, vm0, $0xb8;
	[tilespmem:$0x1E680] =	vst v63  }
0x82: {  	s31 =	simm.s32 $0x12E80;
	v3 =	vperm.xlane v3, v2  }
0x83: {  	[tilespmem:s31], [sflag:$0x2] =	stream.indirect_vreg.gather [hbm4b:s11+s3], $0x80, v4, vm0, $0xb8;
	[tilespmem:$0x1E680] =	vst v63  }
0x84: {  	s14 =	simm.s32 $0x13680;
	v3 =	vadd.s32 v1, v3  }
0x85: {  	[tilespmem:s14], [sflag:$0x2] =	stream.indirect_vreg.gather [hbm4b:s12+s3], $0x80, v4, vm0, $0xb8;
	[tilespmem:$0x1E680] =	vst v63  }
0x86: {  	s15 =	simm.s32 $0x13E80  }
0x87: {  	[tilespmem:s15], [sflag:$0x2] =	stream.indirect_vreg.gather [hbm4b:s13+s3], $0x80, v4, vm0, $0xb8;
	[tilespmem:$0x1E680] =	vst v63  }
0x88: {  	s18 =	simm.s32 $0x14680  }
0x89: {  	[tilespmem:s18], [sflag:$0x2] =	stream.indirect_vreg.gather [hbm4b:s2+s3], $0x80, v3, vm0, $0xb8;
	[tilespmem:$0x1E680] =	vst v63  }
0x8a: {  	s20 =	simm.s32 $0x14E80  }
0x8b: {  	[tilespmem:s20], [sflag:$0x2] =	stream.indirect_vreg.gather [hbm4b:s5+s3], $0x80, v3, vm0, $0xb8;
	[tilespmem:$0x1E680] =	vst v63  }
0x8c: {  	s21 =	simm.s32 $0x15680  }
0x8d: {  	[tilespmem:s21], [sflag:$0x2] =	stream.indirect_vreg.gather [hbm4b:s6+s3], $0x80, v3, vm0, $0xb8;
	[tilespmem:$0x1E680] =	vst v63  }
0x8e: {  	s22 =	simm.s32 $0x15E80  }
0x8f: {  	[tilespmem:s22], [sflag:$0x2] =	stream.indirect_vreg.gather [hbm4b:s7+s3], $0x80, v3, vm0, $0xb8;
	[tilespmem:$0x1E680] =	vst v63  }
0x90: {  	s23 =	simm.s32 $0x16680  }
0x91: {  	[tilespmem:s23], [sflag:$0x2] =	stream.indirect_vreg.gather [hbm4b:s8+s3], $0x80, v3, vm0, $0xb8;
	[tilespmem:$0x1E680] =	vst v63  }
0x92: {  	s24 =	simm.s32 $0x16E80  }
0x93: {  	[tilespmem:s24], [sflag:$0x2] =	stream.indirect_vreg.gather [hbm4b:s9+s3], $0x80, v3, vm0, $0xb8;
	[tilespmem:$0x1E680] =	vst v63  }
0x94: {  	s25 =	simm.s32 $0x17680  }
0x95: {  	[tilespmem:s25], [sflag:$0x2] =	stream.indirect_vreg.gather [hbm4b:s10+s3], $0x80, v3, vm0, $0xb8;
	[tilespmem:$0x1E680] =	vst v63  }
0x96: {  	s30 =	simm.s32 $0x17E80  }
0x97: {  	[tilespmem:s30], [sflag:$0x2] =	stream.indirect_vreg.gather [hbm4b:s11+s3], $0x80, v3, vm0, $0xb8;
	[tilespmem:$0x1E680] =	vst v63  }
0x98: {  	s31 =	simm.s32 $0x18680  }
0x99: {  	[tilespmem:s31], [sflag:$0x2] =	stream.indirect_vreg.gather [hbm4b:s12+s3], $0x80, v3, vm0, $0xb8;
	[tilespmem:$0x1E680] =	vst v63  }
0x9a: {  	s14 =	simm.s32 $0x18E80  }
0x9b: {  	[tilespmem:s14], [sflag:$0x2] =	stream.indirect_vreg.gather [hbm4b:s13+s3], $0x80, v3, vm0, $0xb8;
	[tilespmem:$0x1E680] =	vst v63  }
0x9c: {  	v3 =	vld.msk [tilespmem:$0x28], $0xff;
	_ =	sdelay $0x4  }
0x9d: {  	v63 =	vshrl.u32 v3, $0x3  }
0x9e: {  	v4 =	vmul.u32 $0xA0, v63  }
0x9f: {  	v3 =	vand.u32 $0x7, v3  }
0xa0: {  	v3 =	vor.u32 v3, v4  }
0xa1: {  	v3 =	vperm.xlane v3, v0;
	_ =	sdelay $0x1  }
0xa2: {  	v3 =	vadd.s32 v1, v3;
	_ =	sdelay $0x3  }
0xa3: {  	s15 =	simm.s32 $0x19680  }
0xa4: {  	[tilespmem:s15], [sflag:$0x2] =	stream.indirect_vreg.gather [hbm4b:s2+s3], $0x80, v3, vm0, $0xb8;
	[tilespmem:$0x1E680] =	vst v63  }
0xa5: {  	s18 =	simm.s32 $0x19E80  }
0xa6: {  	[tilespmem:s18], [sflag:$0x2] =	stream.indirect_vreg.gather [hbm4b:s5+s3], $0x80, v3, vm0, $0xb8;
	[tilespmem:$0x1E680] =	vst v63  }
0xa7: {  	s20 =	simm.s32 $0x1A680  }
0xa8: {  	[tilespmem:s20], [sflag:$0x2] =	stream.indirect_vreg.gather [hbm4b:s6+s3], $0x80, v3, vm0, $0xb8;
	[tilespmem:$0x1E680] =	vst v63  }
0xa9: {  	s21 =	simm.s32 $0x1AE80  }
0xaa: {  	[tilespmem:s21], [sflag:$0x2] =	stream.indirect_vreg.gather [hbm4b:s7+s3], $0x80, v3, vm0, $0xb8;
	[tilespmem:$0x1E680] =	vst v63  }
0xab: {  	s22 =	simm.s32 $0x1B680  }
0xac: {  	[tilespmem:s22], [sflag:$0x2] =	stream.indirect_vreg.gather [hbm4b:s8+s3], $0x80, v3, vm0, $0xb8;
	[tilespmem:$0x1E680] =	vst v63  }
0xad: {  	s23 =	simm.s32 $0x1BE80  }
0xae: {  	[tilespmem:s23], [sflag:$0x2] =	stream.indirect_vreg.gather [hbm4b:s9+s3], $0x80, v3, vm0, $0xb8;
	[tilespmem:$0x1E680] =	vst v63  }
0xaf: {  	s24 =	simm.s32 $0x1C680  }
0xb0: {  	[tilespmem:s24], [sflag:$0x2] =	stream.indirect_vreg.gather [hbm4b:s10+s3], $0x80, v3, vm0, $0xb8;
	[tilespmem:$0x1E680] =	vst v63  }
0xb1: {  	s25 =	simm.s32 $0x1CE80  }
0xb2: {  	[tilespmem:s25], [sflag:$0x2] =	stream.indirect_vreg.gather [hbm4b:s11+s3], $0x80, v3, vm0, $0xb8;
	[tilespmem:$0x1E680] =	vst v63  }
0xb3: {  	s30 =	simm.s32 $0x1D680  }
0xb4: {  	[tilespmem:s30], [sflag:$0x2] =	stream.indirect_vreg.gather [hbm4b:s12+s3], $0x80, v3, vm0, $0xb8;
	[tilespmem:$0x1E680] =	vst v63  }
0xb5: {  	s4 =	simm.s32 $0x58;
	s31 =	simm.s32 $0x1DE80;
	s14 =	simm.s32 $0x0  }
0xb6: {  	[tilespmem:s31], [sflag:$0x2] =	stream.indirect_vreg.gather [hbm4b:s13+s3], $0x80, v3, vm0, $0xb8;
	[tilespmem:$0x1E680] =	vst v63  }
.LBB2_2:
0xb7: {  	_ =	swait.ge [sflag:s26], $0xF000  }
0xb8: {  	p0 =	seq.s32 s14, $0x78000;
	[sflag:s26] =	ssyncset.done $0x0  }
.Ltmp2:
0xb9: {  	s15 =	sadd.s32 s14, s17;
	[sflag:s26] =	ssyncadd.s32 $0xFFFF1000;
	(pc) =	sbr.rel @!p0 .LBB2_3-.Ltmp2, $4  }
0xba: {  	[hbm4b:s15+s3] =	stream.linear.scatter [tilespmem:s19], [sflag:$0x3], $0xF000, $0x38;
	[tilespmem:$0x1E680] =	vst v63  }
0xbb: {  	_ =	swait.ge [sflag:s28], $0xF000  }
0xbc: {  	[sflag:s28] =	ssyncset.done $0x0  }
0xbd: {  	[sflag:s28] =	ssyncadd.s32 $0xFFFF1000  }
0xbe: {  	v3 =	vld [tilespmem:$0x630];
	_ =	sdelay $0x4  }
0xbf: {  	v4 =	vshrl.u32 v3, $0x3  }
0xc0: {  	v4 =	vmul.u32 $0xA0, v4  }
0xc1: {  	v3 =	vand.u32 $0x7, v3  }
0xc2: {  	v3 =	vor.u32 v3, v4  }
0xc3: {  	v4 =	vperm.xlane v3, v0;
	_ =	sdelay $0x1  }
0xc4: {  	v4 =	vadd.s32 v1, v4;
	_ =	sdelay $0x4  }
0xc5: {  	[tilespmem:s19], [sflag:$0x1] =	stream.indirect_vreg.gather [hbm4b:s2+s3], $0x80, v4, vm0, $0xb8;
	[tilespmem:$0x1E680] =	vst v63  }
0xc6: {  	s15 =	simm.s32 $0xE80  }
0xc7: {  	[tilespmem:s15], [sflag:$0x1] =	stream.indirect_vreg.gather [hbm4b:s5+s3], $0x80, v4, vm0, $0xb8;
	[tilespmem:$0x1E680] =	vst v63  }
0xc8: {  	s25 =	simm.s32 $0x1680  }
0xc9: {  	[tilespmem:s25], [sflag:$0x1] =	stream.indirect_vreg.gather [hbm4b:s6+s3], $0x80, v4, vm0, $0xb8;
	[tilespmem:$0x1E680] =	vst v63  }
0xca: {  	s18 =	simm.s32 $0x1E80  }
0xcb: {  	[tilespmem:s18], [sflag:$0x1] =	stream.indirect_vreg.gather [hbm4b:s7+s3], $0x80, v4, vm0, $0xb8;
	[tilespmem:$0x1E680] =	vst v63  }
0xcc: {  	s20 =	simm.s32 $0x2680  }
0xcd: {  	[tilespmem:s20], [sflag:$0x1] =	stream.indirect_vreg.gather [hbm4b:s8+s3], $0x80, v4, vm0, $0xb8;
	[tilespmem:$0x1E680] =	vst v63  }
0xce: {  	s21 =	simm.s32 $0x2E80  }
0xcf: {  	[tilespmem:s21], [sflag:$0x1] =	stream.indirect_vreg.gather [hbm4b:s9+s3], $0x80, v4, vm0, $0xb8;
	[tilespmem:$0x1E680] =	vst v63  }
0xd0: {  	s22 =	simm.s32 $0x3680;
	s23 =	simm.s32 $0x3E80;
	s24 =	simm.s32 $0x4680  }
0xd1: {  	[tilespmem:s22], [sflag:$0x1] =	stream.indirect_vreg.gather [hbm4b:s10+s3], $0x80, v4, vm0, $0xb8;
	[tilespmem:$0x1E680] =	vst v63  }
0xd2: {  	s30 =	simm.s32 $0x8E80;
	s31 =	simm.s32 $0x8680;
	s15 =	simm.s32 $0x9E80  }
0xd3: {  	[tilespmem:s23], [sflag:$0x1] =	stream.indirect_vreg.gather [hbm4b:s11+s3], $0x80, v4, vm0, $0xb8;
	[tilespmem:$0x1E680] =	vst v63  }
.Ltmp3:
0xd4: {  	s25 =	simm.s32 $0x4E80;
	s18 =	simm.s32 $0x9680;
	(pc) =	sbr.rel .LBB2_5-.Ltmp3, $4  }
0xd5: {  	[tilespmem:s24], [sflag:$0x1] =	stream.indirect_vreg.gather [hbm4b:s12+s3], $0x80, v4, vm0, $0xb8;
	[tilespmem:$0x1E680] =	vst v63  }
0xd6: {  	s20 =	simm.s32 $0x7E80;
	s21 =	simm.s32 $0x7680;
	s22 =	simm.s32 $0x6E80  }
0xd7: {  	[tilespmem:s25], [sflag:$0x1] =	stream.indirect_vreg.gather [hbm4b:s13+s3], $0x80, v4, vm0, $0xb8;
	[tilespmem:$0x1E680] =	vst v63  }
0xd8: {  	v3 =	vperm.xlane v3, v2;
	s23 =	simm.s32 $0x6680;
	s24 =	simm.s32 $0x5E80;
	s25 =	simm.s32 $0x5680  }
.LBB2_3:
0xd9: {  	v3 =	vld [tilespmem:s4+$0xFFFFFFD8];
	_ =	sdelay $0x4  }
0xda: {  	v4 =	vshrl.u32 v3, $0x3  }
0xdb: {  	v4 =	vmul.u32 $0xA0, v4  }
0xdc: {  	v3 =	vand.u32 $0x7, v3  }
0xdd: {  	v3 =	vor.u32 v3, v4  }
0xde: {  	v4 =	vperm.xlane v3, v0;
	_ =	sdelay $0x1  }
0xdf: {  	v4 =	vadd.s32 v1, v4;
	_ =	sdelay $0x4  }
0xe0: {  	[tilespmem:s19], [sflag:$0x1] =	stream.indirect_vreg.gather [hbm4b:s2+s3], $0x80, v4, vm0, $0xb8;
	[tilespmem:$0x1E680] =	vst v63  }
0xe1: {  	s15 =	simm.s32 $0xE80  }
0xe2: {  	[tilespmem:s15], [sflag:$0x1] =	stream.indirect_vreg.gather [hbm4b:s5+s3], $0x80, v4, vm0, $0xb8;
	[tilespmem:$0x1E680] =	vst v63  }
0xe3: {  	s22 =	simm.s32 $0x1680  }
0xe4: {  	[tilespmem:s22], [sflag:$0x1] =	stream.indirect_vreg.gather [hbm4b:s6+s3], $0x80, v4, vm0, $0xb8;
	[tilespmem:$0x1E680] =	vst v63  }
0xe5: {  	s23 =	simm.s32 $0x1E80  }
0xe6: {  	[tilespmem:s23], [sflag:$0x1] =	stream.indirect_vreg.gather [hbm4b:s7+s3], $0x80, v4, vm0, $0xb8;
	[tilespmem:$0x1E680] =	vst v63  }
0xe7: {  	s24 =	simm.s32 $0x2680  }
0xe8: {  	[tilespmem:s24], [sflag:$0x1] =	stream.indirect_vreg.gather [hbm4b:s8+s3], $0x80, v4, vm0, $0xb8;
	[tilespmem:$0x1E680] =	vst v63  }
0xe9: {  	s25 =	simm.s32 $0x2E80  }
0xea: {  	[tilespmem:s25], [sflag:$0x1] =	stream.indirect_vreg.gather [hbm4b:s9+s3], $0x80, v4, vm0, $0xb8;
	[tilespmem:$0x1E680] =	vst v63  }
0xeb: {  	s18 =	simm.s32 $0x3680  }
0xec: {  	[tilespmem:s18], [sflag:$0x1] =	stream.indirect_vreg.gather [hbm4b:s10+s3], $0x80, v4, vm0, $0xb8;
	[tilespmem:$0x1E680] =	vst v63  }
0xed: {  	s20 =	simm.s32 $0x3E80;
	v3 =	vperm.xlane v3, v2  }
0xee: {  	[tilespmem:s20], [sflag:$0x1] =	stream.indirect_vreg.gather [hbm4b:s11+s3], $0x80, v4, vm0, $0xb8;
	[tilespmem:$0x1E680] =	vst v63  }
0xef: {  	s21 =	simm.s32 $0x4680;
	v3 =	vadd.s32 v1, v3  }
0xf0: {  	[tilespmem:s21], [sflag:$0x1] =	stream.indirect_vreg.gather [hbm4b:s12+s3], $0x80, v4, vm0, $0xb8;
	[tilespmem:$0x1E680] =	vst v63  }
0xf1: {  	s22 =	simm.s32 $0x4E80  }
0xf2: {  	[tilespmem:s22], [sflag:$0x1] =	stream.indirect_vreg.gather [hbm4b:s13+s3], $0x80, v4, vm0, $0xb8;
	[tilespmem:$0x1E680] =	vst v63  }
0xf3: {  	s23 =	simm.s32 $0x5680  }
0xf4: {  	[tilespmem:s23], [sflag:$0x1] =	stream.indirect_vreg.gather [hbm4b:s2+s3], $0x80, v3, vm0, $0xb8;
	[tilespmem:$0x1E680] =	vst v63  }
0xf5: {  	s24 =	simm.s32 $0x5E80  }
0xf6: {  	[tilespmem:s24], [sflag:$0x1] =	stream.indirect_vreg.gather [hbm4b:s5+s3], $0x80, v3, vm0, $0xb8;
	[tilespmem:$0x1E680] =	vst v63  }
0xf7: {  	s25 =	simm.s32 $0x6680  }
0xf8: {  	[tilespmem:s25], [sflag:$0x1] =	stream.indirect_vreg.gather [hbm4b:s6+s3], $0x80, v3, vm0, $0xb8;
	[tilespmem:$0x1E680] =	vst v63  }
0xf9: {  	s18 =	simm.s32 $0x6E80  }
0xfa: {  	[tilespmem:s18], [sflag:$0x1] =	stream.indirect_vreg.gather [hbm4b:s7+s3], $0x80, v3, vm0, $0xb8;
	[tilespmem:$0x1E680] =	vst v63  }
0xfb: {  	s20 =	simm.s32 $0x7680  }
0xfc: {  	[tilespmem:s20], [sflag:$0x1] =	stream.indirect_vreg.gather [hbm4b:s8+s3], $0x80, v3, vm0, $0xb8;
	[tilespmem:$0x1E680] =	vst v63  }
0xfd: {  	s21 =	simm.s32 $0x7E80  }
0xfe: {  	[tilespmem:s21], [sflag:$0x1] =	stream.indirect_vreg.gather [hbm4b:s9+s3], $0x80, v3, vm0, $0xb8;
	[tilespmem:$0x1E680] =	vst v63  }
0xff: {  	s22 =	simm.s32 $0x8680  }
0x100: {  	[tilespmem:s22], [sflag:$0x1] =	stream.indirect_vreg.gather [hbm4b:s10+s3], $0x80, v3, vm0, $0xb8;
	[tilespmem:$0x1E680] =	vst v63  }
0x101: {  	s23 =	simm.s32 $0x8E80  }
0x102: {  	[tilespmem:s23], [sflag:$0x1] =	stream.indirect_vreg.gather [hbm4b:s11+s3], $0x80, v3, vm0, $0xb8;
	[tilespmem:$0x1E680] =	vst v63  }
0x103: {  	s24 =	simm.s32 $0x9680  }
0x104: {  	[tilespmem:s24], [sflag:$0x1] =	stream.indirect_vreg.gather [hbm4b:s12+s3], $0x80, v3, vm0, $0xb8;
	[tilespmem:$0x1E680] =	vst v63  }
0x105: {  	s25 =	simm.s32 $0x9E80  }
0x106: {  	[tilespmem:s25], [sflag:$0x1] =	stream.indirect_vreg.gather [hbm4b:s13+s3], $0x80, v3, vm0, $0xb8;
	[tilespmem:$0x1E680] =	vst v63  }
0x107: {  	v3 =	vld.msk [tilespmem:s4+$0xFFFFFFE8], $0xff;
	_ =	sdelay $0x4  }
0x108: {  	v4 =	vshrl.u32 v3, $0x3  }
0x109: {  	s30 =	simm.s32 $0xDE80;
	v4 =	vmul.u32 $0xA0, v4  }
0x10a: {  	s31 =	simm.s32 $0xD680;
	s15 =	simm.s32 $0xEE80;
	s18 =	simm.s32 $0xE680;
	v3 =	vand.u32 $0x7, v3  }
0x10b: {  	s20 =	simm.s32 $0xCE80;
	s21 =	simm.s32 $0xC680;
	s22 =	simm.s32 $0xBE80;
	v3 =	vor.u32 v3, v4  }
0x10c: {  	s23 =	simm.s32 $0xB680;
	s24 =	simm.s32 $0xAE80;
	s25 =	simm.s32 $0xA680;
	v3 =	vperm.xlane v3, v0  }
.LBB2_5:
0x10d: {  	_ = 	snop  }
0x10e: {  	v3 =	vadd.s32 v1, v3;
	_ =	sdelay $0x4  }
0x10f: {  	[tilespmem:s25], [sflag:$0x1] =	stream.indirect_vreg.gather [hbm4b:s2+s3], $0x80, v3, vm0, $0xb8;
	[tilespmem:$0x1E680] =	vst v63  }
0x110: {  	_ = 	snop  }
0x111: {  	[tilespmem:s24], [sflag:$0x1] =	stream.indirect_vreg.gather [hbm4b:s5+s3], $0x80, v3, vm0, $0xb8;
	[tilespmem:$0x1E680] =	vst v63  }
0x112: {  	_ = 	snop  }
0x113: {  	[tilespmem:s23], [sflag:$0x1] =	stream.indirect_vreg.gather [hbm4b:s6+s3], $0x80, v3, vm0, $0xb8;
	[tilespmem:$0x1E680] =	vst v63  }
0x114: {  	_ = 	snop  }
0x115: {  	[tilespmem:s22], [sflag:$0x1] =	stream.indirect_vreg.gather [hbm4b:s7+s3], $0x80, v3, vm0, $0xb8;
	[tilespmem:$0x1E680] =	vst v63  }
0x116: {  	_ = 	snop  }
0x117: {  	[tilespmem:s21], [sflag:$0x1] =	stream.indirect_vreg.gather [hbm4b:s8+s3], $0x80, v3, vm0, $0xb8;
	[tilespmem:$0x1E680] =	vst v63  }
0x118: {  	_ = 	snop  }
0x119: {  	[tilespmem:s20], [sflag:$0x1] =	stream.indirect_vreg.gather [hbm4b:s9+s3], $0x80, v3, vm0, $0xb8;
	[tilespmem:$0x1E680] =	vst v63  }
0x11a: {  	_ = 	snop  }
0x11b: {  	[tilespmem:s31], [sflag:$0x1] =	stream.indirect_vreg.gather [hbm4b:s10+s3], $0x80, v3, vm0, $0xb8;
	[tilespmem:$0x1E680] =	vst v63  }
0x11c: {  	_ = 	snop  }
0x11d: {  	[tilespmem:s30], [sflag:$0x1] =	stream.indirect_vreg.gather [hbm4b:s11+s3], $0x80, v3, vm0, $0xb8;
	[tilespmem:$0x1E680] =	vst v63  }
0x11e: {  	_ = 	snop  }
0x11f: {  	[tilespmem:s18], [sflag:$0x1] =	stream.indirect_vreg.gather [hbm4b:s12+s3], $0x80, v3, vm0, $0xb8;
	[tilespmem:$0x1E680] =	vst v63  }
0x120: {  	_ = 	snop  }
0x121: {  	[tilespmem:s15], [sflag:$0x1] =	stream.indirect_vreg.gather [hbm4b:s13+s3], $0x80, v3, vm0, $0xb8;
	[tilespmem:$0x1E680] =	vst v63  }
0x122: {  	_ =	swait.ge [sflag:s29], $0xF000  }
0x123: {  	[sflag:s29] =	ssyncset.done $0x0  }
.Ltmp4:
0x124: {  	s31 =	sadd.s32 s14, s16;
	[sflag:s29] =	ssyncadd.s32 $0xFFFF1000;
	(pc) =	sbr.rel @p0 .LBB2_7-.Ltmp4, $4  }
0x125: {  	[hbm4b:s31+s3] =	stream.linear.scatter [tilespmem:s1], [sflag:$0x4], $0xF000, $0x38;
	[tilespmem:$0x1E680] =	vst v63  }
0x126: {  	_ =	swait.ge [sflag:s0], $0xF000  }
0x127: {  	[sflag:s0] =	ssyncset.done $0x0  }
0x128: {  	[sflag:s0] =	ssyncadd.s32 $0xFFFF1000  }
0x129: {  	v3 =	vld [tilespmem:s4+$0xFFFFFFF0];
	_ =	sdelay $0x4  }
0x12a: {  	v4 =	vshrl.u32 v3, $0x3  }
0x12b: {  	v4 =	vmul.u32 $0xA0, v4  }
0x12c: {  	v3 =	vand.u32 $0x7, v3  }
0x12d: {  	v3 =	vor.u32 v3, v4  }
0x12e: {  	v4 =	vperm.xlane v3, v0;
	_ =	sdelay $0x1  }
0x12f: {  	v4 =	vadd.s32 v1, v4;
	_ =	sdelay $0x4  }
0x130: {  	[tilespmem:s1], [sflag:$0x2] =	stream.indirect_vreg.gather [hbm4b:s2+s3], $0x80, v4, vm0, $0xb8;
	[tilespmem:$0x1E680] =	vst v63  }
0x131: {  	s15 =	simm.s32 $0xFE80  }
0x132: {  	[tilespmem:s15], [sflag:$0x2] =	stream.indirect_vreg.gather [hbm4b:s5+s3], $0x80, v4, vm0, $0xb8;
	[tilespmem:$0x1E680] =	vst v63  }
0x133: {  	s31 =	simm.s32 $0x10680  }
0x134: {  	[tilespmem:s31], [sflag:$0x2] =	stream.indirect_vreg.gather [hbm4b:s6+s3], $0x80, v4, vm0, $0xb8;
	[tilespmem:$0x1E680] =	vst v63  }
0x135: {  	s18 =	simm.s32 $0x10E80  }
0x136: {  	[tilespmem:s18], [sflag:$0x2] =	stream.indirect_vreg.gather [hbm4b:s7+s3], $0x80, v4, vm0, $0xb8;
	[tilespmem:$0x1E680] =	vst v63  }
0x137: {  	s20 =	simm.s32 $0x11680  }
0x138: {  	[tilespmem:s20], [sflag:$0x2] =	stream.indirect_vreg.gather [hbm4b:s8+s3], $0x80, v4, vm0, $0xb8;
	[tilespmem:$0x1E680] =	vst v63  }
0x139: {  	s21 =	simm.s32 $0x11E80  }
0x13a: {  	[tilespmem:s21], [sflag:$0x2] =	stream.indirect_vreg.gather [hbm4b:s9+s3], $0x80, v4, vm0, $0xb8;
	[tilespmem:$0x1E680] =	vst v63  }
0x13b: {  	s22 =	simm.s32 $0x12680  }
0x13c: {  	[tilespmem:s22], [sflag:$0x2] =	stream.indirect_vreg.gather [hbm4b:s10+s3], $0x80, v4, vm0, $0xb8;
	[tilespmem:$0x1E680] =	vst v63  }
0x13d: {  	s23 =	simm.s32 $0x12E80;
	v3 =	vperm.xlane v3, v2  }
0x13e: {  	[tilespmem:s23], [sflag:$0x2] =	stream.indirect_vreg.gather [hbm4b:s11+s3], $0x80, v4, vm0, $0xb8;
	[tilespmem:$0x1E680] =	vst v63  }
0x13f: {  	s24 =	simm.s32 $0x13680;
	v3 =	vadd.s32 v1, v3  }
0x140: {  	[tilespmem:s24], [sflag:$0x2] =	stream.indirect_vreg.gather [hbm4b:s12+s3], $0x80, v4, vm0, $0xb8;
	[tilespmem:$0x1E680] =	vst v63  }
0x141: {  	s25 =	simm.s32 $0x13E80  }
0x142: {  	[tilespmem:s25], [sflag:$0x2] =	stream.indirect_vreg.gather [hbm4b:s13+s3], $0x80, v4, vm0, $0xb8;
	[tilespmem:$0x1E680] =	vst v63  }
0x143: {  	s30 =	simm.s32 $0x14680  }
0x144: {  	[tilespmem:s30], [sflag:$0x2] =	stream.indirect_vreg.gather [hbm4b:s2+s3], $0x80, v3, vm0, $0xb8;
	[tilespmem:$0x1E680] =	vst v63  }
0x145: {  	s31 =	simm.s32 $0x14E80  }
0x146: {  	[tilespmem:s31], [sflag:$0x2] =	stream.indirect_vreg.gather [hbm4b:s5+s3], $0x80, v3, vm0, $0xb8;
	[tilespmem:$0x1E680] =	vst v63  }
0x147: {  	s18 =	simm.s32 $0x15680  }
0x148: {  	[tilespmem:s18], [sflag:$0x2] =	stream.indirect_vreg.gather [hbm4b:s6+s3], $0x80, v3, vm0, $0xb8;
	[tilespmem:$0x1E680] =	vst v63  }
0x149: {  	s20 =	simm.s32 $0x15E80  }
0x14a: {  	[tilespmem:s20], [sflag:$0x2] =	stream.indirect_vreg.gather [hbm4b:s7+s3], $0x80, v3, vm0, $0xb8;
	[tilespmem:$0x1E680] =	vst v63  }
0x14b: {  	s21 =	simm.s32 $0x16680  }
0x14c: {  	[tilespmem:s21], [sflag:$0x2] =	stream.indirect_vreg.gather [hbm4b:s8+s3], $0x80, v3, vm0, $0xb8;
	[tilespmem:$0x1E680] =	vst v63  }
0x14d: {  	s22 =	simm.s32 $0x16E80  }
0x14e: {  	[tilespmem:s22], [sflag:$0x2] =	stream.indirect_vreg.gather [hbm4b:s9+s3], $0x80, v3, vm0, $0xb8;
	[tilespmem:$0x1E680] =	vst v63  }
0x14f: {  	s23 =	simm.s32 $0x17680  }
0x150: {  	[tilespmem:s23], [sflag:$0x2] =	stream.indirect_vreg.gather [hbm4b:s10+s3], $0x80, v3, vm0, $0xb8;
	[tilespmem:$0x1E680] =	vst v63  }
0x151: {  	s24 =	simm.s32 $0x17E80  }
0x152: {  	[tilespmem:s24], [sflag:$0x2] =	stream.indirect_vreg.gather [hbm4b:s11+s3], $0x80, v3, vm0, $0xb8;
	[tilespmem:$0x1E680] =	vst v63  }
0x153: {  	s25 =	simm.s32 $0x18680  }
0x154: {  	[tilespmem:s25], [sflag:$0x2] =	stream.indirect_vreg.gather [hbm4b:s12+s3], $0x80, v3, vm0, $0xb8;
	[tilespmem:$0x1E680] =	vst v63  }
0x155: {  	s30 =	simm.s32 $0x18E80  }
0x156: {  	[tilespmem:s30], [sflag:$0x2] =	stream.indirect_vreg.gather [hbm4b:s13+s3], $0x80, v3, vm0, $0xb8;
	[tilespmem:$0x1E680] =	vst v63  }
0x157: {  	v3 =	vld.msk [tilespmem:s4+$0x0], $0xff;
	_ =	sdelay $0x4  }
0x158: {  	v63 =	vshrl.u32 v3, $0x3  }
0x159: {  	v4 =	vmul.u32 $0xA0, v63  }
0x15a: {  	v3 =	vand.u32 $0x7, v3  }
0x15b: {  	v3 =	vor.u32 v3, v4  }
0x15c: {  	v3 =	vperm.xlane v3, v0;
	_ =	sdelay $0x1  }
0x15d: {  	v3 =	vadd.s32 v1, v3;
	_ =	sdelay $0x3  }
0x15e: {  	s31 =	simm.s32 $0x19680  }
0x15f: {  	[tilespmem:s31], [sflag:$0x2] =	stream.indirect_vreg.gather [hbm4b:s2+s3], $0x80, v3, vm0, $0xb8;
	[tilespmem:$0x1E680] =	vst v63  }
0x160: {  	s18 =	simm.s32 $0x19E80  }
0x161: {  	[tilespmem:s18], [sflag:$0x2] =	stream.indirect_vreg.gather [hbm4b:s5+s3], $0x80, v3, vm0, $0xb8;
	[tilespmem:$0x1E680] =	vst v63  }
0x162: {  	s20 =	simm.s32 $0x1A680  }
0x163: {  	[tilespmem:s20], [sflag:$0x2] =	stream.indirect_vreg.gather [hbm4b:s6+s3], $0x80, v3, vm0, $0xb8;
	[tilespmem:$0x1E680] =	vst v63  }
0x164: {  	s21 =	simm.s32 $0x1AE80  }
0x165: {  	[tilespmem:s21], [sflag:$0x2] =	stream.indirect_vreg.gather [hbm4b:s7+s3], $0x80, v3, vm0, $0xb8;
	[tilespmem:$0x1E680] =	vst v63  }
0x166: {  	s22 =	simm.s32 $0x1B680  }
0x167: {  	[tilespmem:s22], [sflag:$0x2] =	stream.indirect_vreg.gather [hbm4b:s8+s3], $0x80, v3, vm0, $0xb8;
	[tilespmem:$0x1E680] =	vst v63  }
0x168: {  	s23 =	simm.s32 $0x1BE80  }
0x169: {  	[tilespmem:s23], [sflag:$0x2] =	stream.indirect_vreg.gather [hbm4b:s9+s3], $0x80, v3, vm0, $0xb8;
	[tilespmem:$0x1E680] =	vst v63  }
0x16a: {  	s24 =	simm.s32 $0x1C680  }
0x16b: {  	[tilespmem:s24], [sflag:$0x2] =	stream.indirect_vreg.gather [hbm4b:s10+s3], $0x80, v3, vm0, $0xb8;
	[tilespmem:$0x1E680] =	vst v63  }
0x16c: {  	s25 =	simm.s32 $0x1CE80  }
0x16d: {  	[tilespmem:s25], [sflag:$0x2] =	stream.indirect_vreg.gather [hbm4b:s11+s3], $0x80, v3, vm0, $0xb8;
	[tilespmem:$0x1E680] =	vst v63  }
.Ltmp5:
0x16e: {  	_ = 	snop;
	(pc) =	sbr.rel .LBB2_2-.Ltmp5, $4  }
0x16f: {  	s30 =	simm.s32 $0x1D680  }
0x170: {  	[tilespmem:s30], [sflag:$0x2] =	stream.indirect_vreg.gather [hbm4b:s12+s3], $0x80, v3, vm0, $0xb8;
	[tilespmem:$0x1E680] =	vst v63  }
0x171: {  	s14 =	sadd.s32 $0x3C00, s14;
	s4 =	sadd.s32 $0x30, s4;
	s31 =	simm.s32 $0x1DE80  }
0x172: {  	[tilespmem:s31], [sflag:$0x2] =	stream.indirect_vreg.gather [hbm4b:s13+s3], $0x80, v3, vm0, $0xb8;
	[tilespmem:$0x1E680] =	vst v63  }
.LBB2_8:
0x173: {  	_ =	sfence.sel $0x180000  }
0x174: {  	[bflag:$0x0] =	sbarrier.arrive $0xFFFF  }
0x175: {  	_ =	strace $0x90000047  }
0x176: {  	s0 =	stileid.u32;
	[bflag:$0x2] =	sbarrier.arrive $0xFFFF  }
0x177: {  	p0 =	sne.s32 s0, $0x0;
	s0 =	rddreg [dreg:$0x3]  }
0x178: {  	s0 =	sadd.s32 @!p0 $0x100000, s0  }
0x179: {  	[sflag:s0] =	ssyncadd.tile.s32 @!p0 $0x1;
	_ =	shalt  }
.Lfunc_end2:
_tile_overlayer_lowered:
.L_overlay_start_2:
0x17a: {  	(tag) =	ssettag $0x2  }
0x17b: {  	s0 =	rddreg [dreg:$0x0];
	s2 =	stileid.u32  }
0x17c: {  	s1 =	rddreg [dreg:$0x1];
	p0 =	sne.s32 s2, $0x0  }
0x17d: {  	s3 =	rddreg [dreg:$0x2];
	[bflag:$0x3] =	sbarrier.arrive $0xFFFF;
	s2 =	simm.s32 @!p0 $0x1C05  }
0x17e: {  	[timem:s3], [sflag:s2] =	dma.local @!p0 [hbm:s0], s1  }
0x17f: {  	s0 =	simm.s32 @!p0 $0x5  }
0x180: {  	_ =	swait.ge @!p0 [sflag:s0], s1  }
0x181: {  	s1 =	ssub.s32 @!p0 $0x0, s1;
	[sflag:s0] =	ssyncset.done @!p0 $0x0  }
0x182: {  	[sflag:s0] =	ssyncadd.s32 @!p0 s1  }
0x183: {  	[bflag:$0x3] =	sbarrier.arrive $0xFFFF  }
0x184: {  	_ =	shalt  }

</sc_bundles>
